<compile_context>
chip_gen: v7x
topology: tpu7x:2x2x1
jax: 0.10.2.dev20260603
libtpu: 0.0.44.dev20260713+nightly
codegen_flags: <defaults>
</compile_context>

<pallas_src>
import jax
import jax.numpy as jnp
from jax import lax
from jax.experimental import pallas as pl
from jax.experimental.pallas import tpu as pltpu
from jax.experimental.pallas import tpu_sc as plsc

DIM = 768
N_EXPERT = 16
MULT = 4
HID = DIM * MULT
N_TOK = 2048

BT = 128
NB = 32
NP = NB * BT

NC = 2
NS = 16
NW = NC * NS


def _router_body(x_ref, wg_ref, eid_ref, gate_ref, rank_ref, cnt_ref):
    x = x_ref[...]
    logits = jnp.dot(x, wg_ref[...], preferred_element_type=jnp.float32)
    probs = jax.nn.softmax(logits, axis=-1)
    top = jnp.argmax(probs, axis=-1)
    gate = jnp.max(probs, axis=-1)
    lane = jax.lax.broadcasted_iota(jnp.int32, (N_TOK, N_EXPERT), 1)
    onehot = jnp.where(lane == top[:, None], 1.0, 0.0)
    ii = jax.lax.broadcasted_iota(jnp.int32, (N_TOK, N_TOK), 0)
    jj = jax.lax.broadcasted_iota(jnp.int32, (N_TOK, N_TOK), 1)
    ltri = jnp.where(ii > jj, 1.0, 0.0)
    rk = jnp.dot(ltri, onehot, preferred_element_type=jnp.float32)
    rank = jnp.sum(rk * onehot, axis=1)
    eid_ref[...] = top[:, None].astype(jnp.int32)
    gate_ref[...] = gate[:, None]
    rank_ref[...] = rank[:, None].astype(jnp.int32)
    cnt_ref[...] = jnp.sum(onehot, axis=0, keepdims=True).astype(jnp.int32)


def _router(x, Wg):
    return pl.pallas_call(
        _router_body,
        out_shape=[
            jax.ShapeDtypeStruct((N_TOK, 1), jnp.int32),
            jax.ShapeDtypeStruct((N_TOK, 1), jnp.float32),
            jax.ShapeDtypeStruct((N_TOK, 1), jnp.int32),
            jax.ShapeDtypeStruct((1, N_EXPERT), jnp.int32),
        ],
    )(x, Wg)


def _dispatch_body(eid_hbm, rank_hbm, gate_hbm, cnt_hbm, x_hbm,
                   dest_hbm, gsort_hbm, be_hbm, xs_hbm,
                   eid_v, rank_v, gate_v, cnt_v, pad_v,
                   dest_v, src_v, gsort_v, be_v,
                   src_sh, idx_v, rows_v, sem):
    c = lax.axis_index("c")
    s = lax.axis_index("s")

    @pl.when(s == 0)
    def _work():
        pltpu.sync_copy(eid_hbm, eid_v)
        pltpu.sync_copy(rank_hbm, rank_v)
        pltpu.sync_copy(gate_hbm, gate_v)
        pltpu.sync_copy(cnt_hbm, cnt_v)

        cnt = cnt_v[...]
        nblk = (cnt + (BT - 1)) >> 7
        incl = plsc.cumsum(nblk)
        excl = incl - nblk
        pad_v[...] = excl * BT
        iota16 = lax.iota(jnp.int32, 16)
        last_e = jnp.max(jnp.where(nblk > 0, iota16, 0))

        for k in range(NB // 16):
            bvec = iota16 + 16 * k
            be_raw = jnp.zeros((16,), jnp.int32)
            for e in range(N_EXPERT):
                incl_e = jnp.sum(jnp.where(iota16 == e, incl, 0))
                be_raw = be_raw + jnp.where(incl_e <= bvec, 1, 0)
            be_v[pl.ds(16 * k, 16)] = jnp.minimum(be_raw, last_e)

        zeros_f = jnp.zeros((16,), jnp.float32)

        def _zfill(i, carry):
            src_v[pl.ds(i * 16, 16)] = (iota16 + i * 16) & (N_TOK - 1)
            gsort_v[pl.ds(i * 16, 16)] = zeros_f
            return carry

        lax.fori_loop(0, NP // 16, _zfill, 0)

        def _scat(i, carry):
            base = i * 16
            ev = eid_v[pl.ds(base, 16)]
            rv = rank_v[pl.ds(base, 16)]
            gv = gate_v[pl.ds(base, 16)]
            po = plsc.load_gather(pad_v, [ev])
            dv = po + rv
            dest_v[pl.ds(base, 16)] = dv
            plsc.store_scatter(src_v, [dv], iota16 + base)
            plsc.store_scatter(gsort_v, [dv], gv)
            return carry

        lax.fori_loop(0, N_TOK // 16, _scat, 0)

        pltpu.sync_copy(src_v, src_sh)

        @pl.when(c == 0)
        def _emit():
            pltpu.sync_copy(dest_v, dest_hbm)
            pltpu.sync_copy(gsort_v, gsort_hbm)
            pltpu.sync_copy(be_v, be_hbm)

    plsc.subcore_barrier()

    wid = s * NC + c
    bpw = NP // NW
    base = wid * bpw
    pltpu.sync_copy(src_sh.at[pl.ds(base, bpw)], idx_v)
    pltpu.async_copy(x_hbm.at[idx_v], rows_v, sem).wait()
    pltpu.sync_copy(rows_v, xs_hbm.at[pl.ds(base, bpw)])


def _dispatch(eid, rank, gate, cnt, x):
    mesh = plsc.VectorSubcoreMesh(core_axis_name="c", subcore_axis_name="s")
    bpw = NP // NW
    f = pl.kernel(
        _dispatch_body,
        compiler_params=pltpu.CompilerParams(needs_layout_passes=False),
        out_type=[
            jax.ShapeDtypeStruct((N_TOK,), jnp.int32),
            jax.ShapeDtypeStruct((NP,), jnp.float32),
            jax.ShapeDtypeStruct((NB,), jnp.int32),
            jax.ShapeDtypeStruct((NP, DIM), jnp.float32),
        ],
        mesh=mesh,
        scratch_types=[
            pltpu.VMEM((N_TOK,), jnp.int32),
            pltpu.VMEM((N_TOK,), jnp.int32),
            pltpu.VMEM((N_TOK,), jnp.float32),
            pltpu.VMEM((N_EXPERT,), jnp.int32),
            pltpu.VMEM((N_EXPERT,), jnp.int32),
            pltpu.VMEM((N_TOK,), jnp.int32),
            pltpu.VMEM((NP,), jnp.int32),
            pltpu.VMEM((NP,), jnp.float32),
            pltpu.VMEM((NB,), jnp.int32),
            pltpu.VMEM_SHARED((NP,), jnp.int32),
            pltpu.VMEM((bpw,), jnp.int32),
            pltpu.VMEM((bpw, DIM), jnp.float32),
            pltpu.SemaphoreType.DMA,
        ],
    )
    return f(eid, rank, gate, cnt, x)


def _mlp_body(be_ref, x_ref, gs_ref, w1_ref, w3_ref, w2_ref, out_ref):
    xb = x_ref[...]
    h = jax.nn.silu(jnp.dot(xb, w1_ref[0], preferred_element_type=jnp.float32)) * jnp.dot(
        xb, w3_ref[0], preferred_element_type=jnp.float32
    )
    y = jnp.dot(h, w2_ref[0], preferred_element_type=jnp.float32)
    out_ref[...] = gs_ref[...] * y


def _mlp(be, x_sorted, gsort, W1, W3, W2):
    grid_spec = pltpu.PrefetchScalarGridSpec(
        num_scalar_prefetch=1,
        grid=(NB,),
        in_specs=[
            pl.BlockSpec((BT, DIM), lambda b, be: (b, 0)),
            pl.BlockSpec((BT, 1), lambda b, be: (b, 0)),
            pl.BlockSpec((1, DIM, HID), lambda b, be: (be[b], 0, 0)),
            pl.BlockSpec((1, DIM, HID), lambda b, be: (be[b], 0, 0)),
            pl.BlockSpec((1, HID, DIM), lambda b, be: (be[b], 0, 0)),
        ],
        out_specs=pl.BlockSpec((BT, DIM), lambda b, be: (b, 0)),
    )
    return pl.pallas_call(
        _mlp_body,
        grid_spec=grid_spec,
        out_shape=jax.ShapeDtypeStruct((NP, DIM), jnp.float32),
        compiler_params=pltpu.CompilerParams(
            vmem_limit_bytes=112 * 1024 * 1024,
        ),
    )(be, x_sorted, gsort, W1, W3, W2)


def _combine_body(y_hbm, dest_hbm, out_hbm, idx_v, rows_v, sem):
    c = lax.axis_index("c")
    s = lax.axis_index("s")
    wid = s * NC + c
    bpw = N_TOK // NW
    base = wid * bpw
    pltpu.sync_copy(dest_hbm.at[pl.ds(base, bpw)], idx_v)
    pltpu.async_copy(y_hbm.at[idx_v], rows_v, sem).wait()
    pltpu.sync_copy(rows_v, out_hbm.at[pl.ds(base, bpw)])


def _combine(y_sorted, dest):
    mesh = plsc.VectorSubcoreMesh(core_axis_name="c", subcore_axis_name="s")
    bpw = N_TOK // NW
    f = pl.kernel(
        _combine_body,
        out_type=[jax.ShapeDtypeStruct((N_TOK, DIM), jnp.float32)],
        mesh=mesh,
        scratch_types=[
            pltpu.VMEM((bpw,), jnp.int32),
            pltpu.VMEM((bpw, DIM), jnp.float32),
            pltpu.SemaphoreType.DMA,
        ],
    )
    return f(y_sorted, dest)[0]


@jax.jit
def kernel(x, Wg, W1, W3, W2):
    eid2, gate2, rank2, cnt2 = _router(x, Wg)
    dest, gsort, be, x_sorted = _dispatch(
        eid2.reshape(N_TOK), rank2.reshape(N_TOK), gate2.reshape(N_TOK),
        cnt2.reshape(N_EXPERT), x,
    )
    y_sorted = _mlp(be, x_sorted, gsort.reshape(NP, 1), W1, W3, W2)
    return _combine(y_sorted, dest)

# --- scband reference (transcript-rebuilt; emitter-appended) ---
"""Pipeline reference for scband-mo-e-53274774340051 (READ-ONLY COPY).

The authoritative reference and input builder live on the scoring server;
editing this copy changes nothing except your own understanding.
"""

import jax, jax.numpy as jnp
import numpy as np

DIM = 768
N_EXPERT = 16
TOP_K = 1
MULT = 4
HID = DIM * MULT
N_TOK = 2048


def setup_inputs(seed: int = 0) -> dict:
    key = jax.random.key(seed)
    ks = jax.random.split(key, 5)
    x = jax.random.normal(ks[0], (N_TOK, DIM), dtype=jnp.float32)
    Wg = jax.random.normal(ks[1], (DIM, N_EXPERT), dtype=jnp.float32) * (DIM ** -0.5)
    W1 = jax.random.normal(ks[2], (N_EXPERT, DIM, HID), dtype=jnp.float32) * (DIM ** -0.5)
    W3 = jax.random.normal(ks[3], (N_EXPERT, DIM, HID), dtype=jnp.float32) * (DIM ** -0.5)
    W2 = jax.random.normal(ks[4], (N_EXPERT, HID, DIM), dtype=jnp.float32) * (HID ** -0.5)
    return {"x": x, "Wg": Wg, "W1": W1, "W3": W3, "W2": W2}


def reference(x, Wg, W1, W3, W2):
    # TopKGate: router logits -> full softmax -> top-k expert probs (Switch-style,
    # gate weight = router probability of the selected expert; for k>1 these are
    # the unrenormalized top-k probs as in the Switch/GShard formulation).
    logits = x @ Wg                                  # [N, E]
    probs = jax.nn.softmax(logits, axis=-1)          # [N, E]
    topv, topi = jax.lax.top_k(probs, TOP_K)         # [N, k], [N, k]
    out = jnp.zeros_like(x)
    # Loop over experts (mirrors the single-GPU-friendly expert loop). A token's
    # contribution from expert e is zero unless e is among its top-k, so masking
    # the dense per-expert output by the gate weight is mathematically identical
    # to gathering routed tokens.
    for e in range(N_EXPERT):
        w_e = jnp.sum(jnp.where(topi == e, topv, 0.0), axis=-1)   # [N]
        # ExpertMLP with SwiGLU: (silu(x W1) * (x W3)) W2, dropout=0.0 (identity)
        h = jax.nn.silu(x @ W1[e]) * (x @ W3[e])                   # [N, HID]
        y = h @ W2[e]                                              # [N, DIM]
        out = out + w_e[:, None] * y
    return out

if __name__ == "__main__":
    import jax
    _d = setup_inputs()
    print(jax.jit(kernel)(*tuple(_d.values())))

</pallas_src>

<mosaic_0001>
#map = affine_map<(d0, d1) -> (0)>
#map1 = affine_map<(d0, d1) -> (0, 0)>
module attributes {stable_mosaic.version = 14 : i64} {
  func.func @_dispatch_body(%arg0: i32, %arg1: i32, %arg2: memref<2048xi32, #tpu.memory_space<hbm>>, %arg3: memref<2048xi32, #tpu.memory_space<hbm>>, %arg4: memref<2048xf32, #tpu.memory_space<hbm>>, %arg5: memref<16xi32, #tpu.memory_space<hbm>>, %arg6: memref<2048x768xf32, #tpu.memory_space<hbm>>, %arg7: memref<2048xi32, #tpu.memory_space<hbm>>, %arg8: memref<4096xf32, #tpu.memory_space<hbm>>, %arg9: memref<32xi32, #tpu.memory_space<hbm>>, %arg10: memref<4096x768xf32, #tpu.memory_space<hbm>>, %arg11: memref<2048xi32, #tpu.memory_space<vmem>>, %arg12: memref<2048xi32, #tpu.memory_space<vmem>>, %arg13: memref<2048xf32, #tpu.memory_space<vmem>>, %arg14: memref<16xi32, #tpu.memory_space<vmem>>, %arg15: memref<16xi32, #tpu.memory_space<vmem>>, %arg16: memref<2048xi32, #tpu.memory_space<vmem>>, %arg17: memref<4096xi32, #tpu.memory_space<vmem>>, %arg18: memref<4096xf32, #tpu.memory_space<vmem>>, %arg19: memref<32xi32, #tpu.memory_space<vmem>>, %arg20: memref<4096xi32, #tpu.memory_space<vmem_shared>>, %arg21: memref<128xi32, #tpu.memory_space<vmem>>, %arg22: memref<128x768xf32, #tpu.memory_space<vmem>>, %arg23: memref<!tpu.dma_semaphore, #tpu.memory_space<semaphore_mem>>) attributes {dimension_semantics = [#tpu.dimension_semantics<core_parallel>, #tpu.dimension_semantics<subcore_parallel>], iteration_bounds = array<i64: 2, 16>, scalar_prefetch = 0 : i64, scratch_operands = 13 : i64, tpu.core_type = #tpu.core_type<sc_vector_subcore>, window_params = [{transform_indices = #map}, {transform_indices = #map}, {transform_indices = #map}, {transform_indices = #map}, {transform_indices = #map1}, {transform_indices = #map}, {transform_indices = #map}, {transform_indices = #map}, {transform_indices = #map1}]} {
    %eq3A = arith.constant 0 : i32
    %eq3A_0 = arith.cmpi eq, %arg1, %eq3A : i32
    %convert_element_type3A = arith.extui %eq3A_0 : i1 to i32
    %cond3A = arith.constant 0 : i32
    %cond3A_1 = arith.cmpi ne, %convert_element_type3A, %cond3A : i32
    scf.if %cond3A_1 {
      "tpu.region"() ({
        %run_scoped3A = tpu.sem_alloc : memref<!tpu.dma_semaphore, #tpu.memory_space<semaphore_mem>>
        tpu.enqueue_dma source(%arg2 : memref<2048xi32, #tpu.memory_space<hbm>>) target(%arg11 : memref<2048xi32, #tpu.memory_space<vmem>>) target_semaphore(%run_scoped3A : memref<!tpu.dma_semaphore, #tpu.memory_space<semaphore_mem>>)
        tpu.wait_dma2 semaphore(%run_scoped3A : memref<!tpu.dma_semaphore, #tpu.memory_space<semaphore_mem>>) src(%arg2 : memref<2048xi32, #tpu.memory_space<hbm>>) dst(%arg11 : memref<2048xi32, #tpu.memory_space<vmem>>)
        tpu.yield
      }) : () -> ()
      "tpu.region"() ({
        %run_scoped3A = tpu.sem_alloc : memref<!tpu.dma_semaphore, #tpu.memory_space<semaphore_mem>>
        tpu.enqueue_dma source(%arg3 : memref<2048xi32, #tpu.memory_space<hbm>>) target(%arg12 : memref<2048xi32, #tpu.memory_space<vmem>>) target_semaphore(%run_scoped3A : memref<!tpu.dma_semaphore, #tpu.memory_space<semaphore_mem>>)
        tpu.wait_dma2 semaphore(%run_scoped3A : memref<!tpu.dma_semaphore, #tpu.memory_space<semaphore_mem>>) src(%arg3 : memref<2048xi32, #tpu.memory_space<hbm>>) dst(%arg12 : memref<2048xi32, #tpu.memory_space<vmem>>)
        tpu.yield
      }) : () -> ()
      "tpu.region"() ({
        %run_scoped3A = tpu.sem_alloc : memref<!tpu.dma_semaphore, #tpu.memory_space<semaphore_mem>>
        tpu.enqueue_dma source(%arg4 : memref<2048xf32, #tpu.memory_space<hbm>>) target(%arg13 : memref<2048xf32, #tpu.memory_space<vmem>>) target_semaphore(%run_scoped3A : memref<!tpu.dma_semaphore, #tpu.memory_space<semaphore_mem>>)
        tpu.wait_dma2 semaphore(%run_scoped3A : memref<!tpu.dma_semaphore, #tpu.memory_space<semaphore_mem>>) src(%arg4 : memref<2048xf32, #tpu.memory_space<hbm>>) dst(%arg13 : memref<2048xf32, #tpu.memory_space<vmem>>)
        tpu.yield
      }) : () -> ()
      "tpu.region"() ({
        %run_scoped3A = tpu.sem_alloc : memref<!tpu.dma_semaphore, #tpu.memory_space<semaphore_mem>>
        tpu.enqueue_dma source(%arg5 : memref<16xi32, #tpu.memory_space<hbm>>) target(%arg14 : memref<16xi32, #tpu.memory_space<vmem>>) target_semaphore(%run_scoped3A : memref<!tpu.dma_semaphore, #tpu.memory_space<semaphore_mem>>)
        tpu.wait_dma2 semaphore(%run_scoped3A : memref<!tpu.dma_semaphore, #tpu.memory_space<semaphore_mem>>) src(%arg5 : memref<16xi32, #tpu.memory_space<hbm>>) dst(%arg14 : memref<16xi32, #tpu.memory_space<vmem>>)
        tpu.yield
      }) : () -> ()
      %get3A = arith.constant 0 : index
      %get3A_9 = tpu.vector_load %arg14[%get3A] {strides = array<i32>} : memref<16xi32, #tpu.memory_space<vmem>>, vector<16xi32>,
      %add3A_10 = arith.constant 127 : i32
      %add3A_11 = vector.broadcast %add3A_10 : i32 to vector<16xi32>
      %add3A_12 = arith.addi %get3A_9, %add3A_11 : vector<16xi32>
      %shift_right_arithmetic3A = arith.constant 7 : i32
      %shift_right_arithmetic3A_13 = vector.broadcast %shift_right_arithmetic3A : i32 to vector<16xi32>
      %shift_right_arithmetic3A_14 = arith.shrsi %add3A_12, %shift_right_arithmetic3A_13 : vector<16xi32>
      %broadcast_in_dim3A = arith.constant true
      %broadcast_in_dim3A_15 = vector.broadcast %broadcast_in_dim3A : i1 to vector<16xi1>
      %masked_cumsum3A = tpu.scan <sum>, %shift_right_arithmetic3A_14 masked %broadcast_in_dim3A_15 : vector<16xi32>, vector<16xi1> -> vector<16xi32>
      %sub3A = arith.subi %masked_cumsum3A, %shift_right_arithmetic3A_14 : vector<16xi32>
      %mul3A_16 = arith.constant 128 : i32
      %mul3A_17 = vector.broadcast %mul3A_16 : i32 to vector<16xi32>
      %mul3A_18 = arith.muli %sub3A, %mul3A_17 : vector<16xi32>
      %swap3A = arith.constant 0 : index
      %swap3A_19 = tpu.vector_load %arg15[%swap3A] {strides = array<i32>} : memref<16xi32, #tpu.memory_space<vmem>>, vector<16xi32>,
      tpu.vector_store %arg15[%swap3A], %mul3A_18 {strides = array<i32>} : memref<16xi32, #tpu.memory_space<vmem>>, vector<16xi32>,
      %iota3A = tpu.iota {dimensions = array<i32: 0>} : vector<16xi32>
      %gt3A = arith.constant 0 : i32
      %gt3A_20 = vector.broadcast %gt3A : i32 to vector<16xi32>
      %gt3A_21 = arith.cmpi sgt, %shift_right_arithmetic3A_14, %gt3A_20 : vector<16xi32>
      %jit3A = arith.constant 0 : i32
      %broadcast_in_dim3A_22 = vector.broadcast %jit3A : i32 to vector<16xi32>
      %select_n3A = arith.select %gt3A_21, %iota3A, %broadcast_in_dim3A_22 : vector<16xi1>, vector<16xi32>
      %reduce_max3A = arith.constant true
      %reduce_max3A_23 = vector.broadcast %reduce_max3A : i1 to vector<16xi1>
      %reduce_max3A_24 = arith.constant -2147483648 : i32
      %reduce_max3A_25 = vector.broadcast %reduce_max3A_24 : i32 to vector<16xi32>
      %reduce_max3A_26 = arith.xori %select_n3A, %reduce_max3A_25 : vector<16xi32>
      %reduce_max3A_27 = tpu.scan <max>, %reduce_max3A_26 masked %reduce_max3A_23 : vector<16xi32>, vector<16xi1> -> vector<16xi32>
      %reduce_max3A_28 = arith.xori %reduce_max3A_27, %reduce_max3A_25 : vector<16xi32>
      %reduce_max3A_29 = vector.extract %reduce_max3A_28[15] : i32 from vector<16xi32>
      %add3A_30 = arith.constant 0 : i32
      %add3A_31 = vector.broadcast %add3A_30 : i32 to vector<16xi32>
      %add3A_32 = arith.addi %iota3A, %add3A_31 : vector<16xi32>
      %broadcast_in_dim3A_33 = arith.constant 0 : i32
      %broadcast_in_dim3A_34 = vector.broadcast %broadcast_in_dim3A_33 : i32 to vector<16xi32>
      %eq3A_35 = arith.constant 0 : i32
      %eq3A_36 = vector.broadcast %eq3A_35 : i32 to vector<16xi32>
      %eq3A_37 = arith.cmpi eq, %iota3A, %eq3A_36 : vector<16xi32>
      %jit3A_38 = arith.constant 0 : i32
      %broadcast_in_dim3A_39 = vector.broadcast %jit3A_38 : i32 to vector<16xi32>
      %select_n3A_40 = arith.select %eq3A_37, %masked_cumsum3A, %broadcast_in_dim3A_39 : vector<16xi1>, vector<16xi32>
      %reduce_sum3A = arith.constant true
      %reduce_sum3A_41 = vector.broadcast %reduce_sum3A : i1 to vector<16xi1>
      %reduce_sum3A_42 = tpu.scan <sum>, %select_n3A_40 masked %reduce_sum3A_41 : vector<16xi32>, vector<16xi1> -> vector<16xi32>
      %reduce_sum3A_43 = vector.extract %reduce_sum3A_42[15] : i32 from vector<16xi32>
      %le3A = vector.broadcast %reduce_sum3A_43 : i32 to vector<16xi32>
      %le3A_44 = arith.cmpi sle, %le3A, %add3A_32 : vector<16xi32>
      %jit3A_45 = arith.constant 1 : i32
      %jit3A_46 = arith.constant 0 : i32
      %broadcast_in_dim3A_47 = vector.broadcast %jit3A_45 : i32 to vector<16xi32>
      %broadcast_in_dim3A_48 = vector.broadcast %jit3A_46 : i32 to vector<16xi32>
      %select_n3A_49 = arith.select %le3A_44, %broadcast_in_dim3A_47, %broadcast_in_dim3A_48 : vector<16xi1>, vector<16xi32>
      %add3A_50 = arith.addi %broadcast_in_dim3A_34, %select_n3A_49 : vector<16xi32>
      %eq3A_51 = arith.constant 1 : i32
      %eq3A_52 = vector.broadcast %eq3A_51 : i32 to vector<16xi32>
      %eq3A_53 = arith.cmpi eq, %iota3A, %eq3A_52 : vector<16xi32>
      %jit3A_54 = arith.constant 0 : i32
      %broadcast_in_dim3A_55 = vector.broadcast %jit3A_54 : i32 to vector<16xi32>
      %select_n3A_56 = arith.select %eq3A_53, %masked_cumsum3A, %broadcast_in_dim3A_55 : vector<16xi1>, vector<16xi32>
      %reduce_sum3A_57 = arith.constant true
      %reduce_sum3A_58 = vector.broadcast %reduce_sum3A_57 : i1 to vector<16xi1>
      %reduce_sum3A_59 = tpu.scan <sum>, %select_n3A_56 masked %reduce_sum3A_58 : vector<16xi32>, vector<16xi1> -> vector<16xi32>
      %reduce_sum3A_60 = vector.extract %reduce_sum3A_59[15] : i32 from vector<16xi32>
      %le3A_61 = vector.broadcast %reduce_sum3A_60 : i32 to vector<16xi32>
      %le3A_62 = arith.cmpi sle, %le3A_61, %add3A_32 : vector<16xi32>
      %jit3A_63 = arith.constant 1 : i32
      %jit3A_64 = arith.constant 0 : i32
      %broadcast_in_dim3A_65 = vector.broadcast %jit3A_63 : i32 to vector<16xi32>
      %broadcast_in_dim3A_66 = vector.broadcast %jit3A_64 : i32 to vector<16xi32>
      %select_n3A_67 = arith.select %le3A_62, %broadcast_in_dim3A_65, %broadcast_in_dim3A_66 : vector<16xi1>, vector<16xi32>
      %add3A_68 = arith.addi %add3A_50, %select_n3A_67 : vector<16xi32>
      %eq3A_69 = arith.constant 2 : i32
      %eq3A_70 = vector.broadcast %eq3A_69 : i32 to vector<16xi32>
      %eq3A_71 = arith.cmpi eq, %iota3A, %eq3A_70 : vector<16xi32>
      %jit3A_72 = arith.constant 0 : i32
      %broadcast_in_dim3A_73 = vector.broadcast %jit3A_72 : i32 to vector<16xi32>
      %select_n3A_74 = arith.select %eq3A_71, %masked_cumsum3A, %broadcast_in_dim3A_73 : vector<16xi1>, vector<16xi32>
      %reduce_sum3A_75 = arith.constant true
      %reduce_sum3A_76 = vector.broadcast %reduce_sum3A_75 : i1 to vector<16xi1>
      %reduce_sum3A_77 = tpu.scan <sum>, %select_n3A_74 masked %reduce_sum3A_76 : vector<16xi32>, vector<16xi1> -> vector<16xi32>
      %reduce_sum3A_78 = vector.extract %reduce_sum3A_77[15] : i32 from vector<16xi32>
      %le3A_79 = vector.broadcast %reduce_sum3A_78 : i32 to vector<16xi32>
      %le3A_80 = arith.cmpi sle, %le3A_79, %add3A_32 : vector<16xi32>
      %jit3A_81 = arith.constant 1 : i32
      %jit3A_82 = arith.constant 0 : i32
      %broadcast_in_dim3A_83 = vector.broadcast %jit3A_81 : i32 to vector<16xi32>
      %broadcast_in_dim3A_84 = vector.broadcast %jit3A_82 : i32 to vector<16xi32>
      %select_n3A_85 = arith.select %le3A_80, %broadcast_in_dim3A_83, %broadcast_in_dim3A_84 : vector<16xi1>, vector<16xi32>
      %add3A_86 = arith.addi %add3A_68, %select_n3A_85 : vector<16xi32>
      %eq3A_87 = arith.constant 3 : i32
      %eq3A_88 = vector.broadcast %eq3A_87 : i32 to vector<16xi32>
      %eq3A_89 = arith.cmpi eq, %iota3A, %eq3A_88 : vector<16xi32>
      %jit3A_90 = arith.constant 0 : i32
      %broadcast_in_dim3A_91 = vector.broadcast %jit3A_90 : i32 to vector<16xi32>
      %select_n3A_92 = arith.select %eq3A_89, %masked_cumsum3A, %broadcast_in_dim3A_91 : vector<16xi1>, vector<16xi32>
      %reduce_sum3A_93 = arith.constant true
      %reduce_sum3A_94 = vector.broadcast %reduce_sum3A_93 : i1 to vector<16xi1>
      %reduce_sum3A_95 = tpu.scan <sum>, %select_n3A_92 masked %reduce_sum3A_94 : vector<16xi32>, vector<16xi1> -> vector<16xi32>
      %reduce_sum3A_96 = vector.extract %reduce_sum3A_95[15] : i32 from vector<16xi32>
      %le3A_97 = vector.broadcast %reduce_sum3A_96 : i32 to vector<16xi32>
      %le3A_98 = arith.cmpi sle, %le3A_97, %add3A_32 : vector<16xi32>
      %jit3A_99 = arith.constant 1 : i32
      %jit3A_100 = arith.constant 0 : i32
      %broadcast_in_dim3A_101 = vector.broadcast %jit3A_99 : i32 to vector<16xi32>
      %broadcast_in_dim3A_102 = vector.broadcast %jit3A_100 : i32 to vector<16xi32>
      %select_n3A_103 = arith.select %le3A_98, %broadcast_in_dim3A_101, %broadcast_in_dim3A_102 : vector<16xi1>, vector<16xi32>
      %add3A_104 = arith.addi %add3A_86, %select_n3A_103 : vector<16xi32>
      %eq3A_105 = arith.constant 4 : i32
      %eq3A_106 = vector.broadcast %eq3A_105 : i32 to vector<16xi32>
      %eq3A_107 = arith.cmpi eq, %iota3A, %eq3A_106 : vector<16xi32>
      %jit3A_108 = arith.constant 0 : i32
      %broadcast_in_dim3A_109 = vector.broadcast %jit3A_108 : i32 to vector<16xi32>
      %select_n3A_110 = arith.select %eq3A_107, %masked_cumsum3A, %broadcast_in_dim3A_109 : vector<16xi1>, vector<16xi32>
      %reduce_sum3A_111 = arith.constant true
      %reduce_sum3A_112 = vector.broadcast %reduce_sum3A_111 : i1 to vector<16xi1>
      %reduce_sum3A_113 = tpu.scan <sum>, %select_n3A_110 masked %reduce_sum3A_112 : vector<16xi32>, vector<16xi1> -> vector<16xi32>
      %reduce_sum3A_114 = vector.extract %reduce_sum3A_113[15] : i32 from vector<16xi32>
      %le3A_115 = vector.broadcast %reduce_sum3A_114 : i32 to vector<16xi32>
      %le3A_116 = arith.cmpi sle, %le3A_115, %add3A_32 : vector<16xi32>
      %jit3A_117 = arith.constant 1 : i32
      %jit3A_118 = arith.constant 0 : i32
      %broadcast_in_dim3A_119 = vector.broadcast %jit3A_117 : i32 to vector<16xi32>
      %broadcast_in_dim3A_120 = vector.broadcast %jit3A_118 : i32 to vector<16xi32>
      %select_n3A_121 = arith.select %le3A_116, %broadcast_in_dim3A_119, %broadcast_in_dim3A_120 : vector<16xi1>, vector<16xi32>
      %add3A_122 = arith.addi %add3A_104, %select_n3A_121 : vector<16xi32>
      %eq3A_123 = arith.constant 5 : i32
      %eq3A_124 = vector.broadcast %eq3A_123 : i32 to vector<16xi32>
      %eq3A_125 = arith.cmpi eq, %iota3A, %eq3A_124 : vector<16xi32>
      %jit3A_126 = arith.constant 0 : i32
      %broadcast_in_dim3A_127 = vector.broadcast %jit3A_126 : i32 to vector<16xi32>
      %select_n3A_128 = arith.select %eq3A_125, %masked_cumsum3A, %broadcast_in_dim3A_127 : vector<16xi1>, vector<16xi32>
      %reduce_sum3A_129 = arith.constant true
      %reduce_sum3A_130 = vector.broadcast %reduce_sum3A_129 : i1 to vector<16xi1>
      %reduce_sum3A_131 = tpu.scan <sum>, %select_n3A_128 masked %reduce_sum3A_130 : vector<16xi32>, vector<16xi1> -> vector<16xi32>
      %reduce_sum3A_132 = vector.extract %reduce_sum3A_131[15] : i32 from vector<16xi32>
      %le3A_133 = vector.broadcast %reduce_sum3A_132 : i32 to vector<16xi32>
      %le3A_134 = arith.cmpi sle, %le3A_133, %add3A_32 : vector<16xi32>
      %jit3A_135 = arith.constant 1 : i32
      %jit3A_136 = arith.constant 0 : i32
      %broadcast_in_dim3A_137 = vector.broadcast %jit3A_135 : i32 to vector<16xi32>
      %broadcast_in_dim3A_138 = vector.broadcast %jit3A_136 : i32 to vector<16xi32>
      %select_n3A_139 = arith.select %le3A_134, %broadcast_in_dim3A_137, %broadcast_in_dim3A_138 : vector<16xi1>, vector<16xi32>
      %add3A_140 = arith.addi %add3A_122, %select_n3A_139 : vector<16xi32>
      %eq3A_141 = arith.constant 6 : i32
      %eq3A_142 = vector.broadcast %eq3A_141 : i32 to vector<16xi32>
      %eq3A_143 = arith.cmpi eq, %iota3A, %eq3A_142 : vector<16xi32>
      %jit3A_144 = arith.constant 0 : i32
      %broadcast_in_dim3A_145 = vector.broadcast %jit3A_144 : i32 to vector<16xi32>
      %select_n3A_146 = arith.select %eq3A_143, %masked_cumsum3A, %broadcast_in_dim3A_145 : vector<16xi1>, vector<16xi32>
      %reduce_sum3A_147 = arith.constant true
      %reduce_sum3A_148 = vector.broadcast %reduce_sum3A_147 : i1 to vector<16xi1>
      %reduce_sum3A_149 = tpu.scan <sum>, %select_n3A_146 masked %reduce_sum3A_148 : vector<16xi32>, vector<16xi1> -> vector<16xi32>
      %reduce_sum3A_150 = vector.extract %reduce_sum3A_149[15] : i32 from vector<16xi32>
      %le3A_151 = vector.broadcast %reduce_sum3A_150 : i32 to vector<16xi32>
      %le3A_152 = arith.cmpi sle, %le3A_151, %add3A_32 : vector<16xi32>
      %jit3A_153 = arith.constant 1 : i32
      %jit3A_154 = arith.constant 0 : i32
      %broadcast_in_dim3A_155 = vector.broadcast %jit3A_153 : i32 to vector<16xi32>
      %broadcast_in_dim3A_156 = vector.broadcast %jit3A_154 : i32 to vector<16xi32>
      %select_n3A_157 = arith.select %le3A_152, %broadcast_in_dim3A_155, %broadcast_in_dim3A_156 : vector<16xi1>, vector<16xi32>
      %add3A_158 = arith.addi %add3A_140, %select_n3A_157 : vector<16xi32>
      %eq3A_159 = arith.constant 7 : i32
      %eq3A_160 = vector.broadcast %eq3A_159 : i32 to vector<16xi32>
      %eq3A_161 = arith.cmpi eq, %iota3A, %eq3A_160 : vector<16xi32>
      %jit3A_162 = arith.constant 0 : i32
      %broadcast_in_dim3A_163 = vector.broadcast %jit3A_162 : i32 to vector<16xi32>
      %select_n3A_164 = arith.select %eq3A_161, %masked_cumsum3A, %broadcast_in_dim3A_163 : vector<16xi1>, vector<16xi32>
      %reduce_sum3A_165 = arith.constant true
      %reduce_sum3A_166 = vector.broadcast %reduce_sum3A_165 : i1 to vector<16xi1>
      %reduce_sum3A_167 = tpu.scan <sum>, %select_n3A_164 masked %reduce_sum3A_166 : vector<16xi32>, vector<16xi1> -> vector<16xi32>
      %reduce_sum3A_168 = vector.extract %reduce_sum3A_167[15] : i32 from vector<16xi32>
      %le3A_169 = vector.broadcast %reduce_sum3A_168 : i32 to vector<16xi32>
      %le3A_170 = arith.cmpi sle, %le3A_169, %add3A_32 : vector<16xi32>
      %jit3A_171 = arith.constant 1 : i32
      %jit3A_172 = arith.constant 0 : i32
      %broadcast_in_dim3A_173 = vector.broadcast %jit3A_171 : i32 to vector<16xi32>
      %broadcast_in_dim3A_174 = vector.broadcast %jit3A_172 : i32 to vector<16xi32>
      %select_n3A_175 = arith.select %le3A_170, %broadcast_in_dim3A_173, %broadcast_in_dim3A_174 : vector<16xi1>, vector<16xi32>
      %add3A_176 = arith.addi %add3A_158, %select_n3A_175 : vector<16xi32>
      %eq3A_177 = arith.constant 8 : i32
      %eq3A_178 = vector.broadcast %eq3A_177 : i32 to vector<16xi32>
      %eq3A_179 = arith.cmpi eq, %iota3A, %eq3A_178 : vector<16xi32>
      %jit3A_180 = arith.constant 0 : i32
      %broadcast_in_dim3A_181 = vector.broadcast %jit3A_180 : i32 to vector<16xi32>
      %select_n3A_182 = arith.select %eq3A_179, %masked_cumsum3A, %broadcast_in_dim3A_181 : vector<16xi1>, vector<16xi32>
      %reduce_sum3A_183 = arith.constant true
      %reduce_sum3A_184 = vector.broadcast %reduce_sum3A_183 : i1 to vector<16xi1>
      %reduce_sum3A_185 = tpu.scan <sum>, %select_n3A_182 masked %reduce_sum3A_184 : vector<16xi32>, vector<16xi1> -> vector<16xi32>
      %reduce_sum3A_186 = vector.extract %reduce_sum3A_185[15] : i32 from vector<16xi32>
      %le3A_187 = vector.broadcast %reduce_sum3A_186 : i32 to vector<16xi32>
      %le3A_188 = arith.cmpi sle, %le3A_187, %add3A_32 : vector<16xi32>
      %jit3A_189 = arith.constant 1 : i32
      %jit3A_190 = arith.constant 0 : i32
      %broadcast_in_dim3A_191 = vector.broadcast %jit3A_189 : i32 to vector<16xi32>
      %broadcast_in_dim3A_192 = vector.broadcast %jit3A_190 : i32 to vector<16xi32>
      %select_n3A_193 = arith.select %le3A_188, %broadcast_in_dim3A_191, %broadcast_in_dim3A_192 : vector<16xi1>, vector<16xi32>
      %add3A_194 = arith.addi %add3A_176, %select_n3A_193 : vector<16xi32>
      %eq3A_195 = arith.constant 9 : i32
      %eq3A_196 = vector.broadcast %eq3A_195 : i32 to vector<16xi32>
      %eq3A_197 = arith.cmpi eq, %iota3A, %eq3A_196 : vector<16xi32>
      %jit3A_198 = arith.constant 0 : i32
      %broadcast_in_dim3A_199 = vector.broadcast %jit3A_198 : i32 to vector<16xi32>
      %select_n3A_200 = arith.select %eq3A_197, %masked_cumsum3A, %broadcast_in_dim3A_199 : vector<16xi1>, vector<16xi32>
      %reduce_sum3A_201 = arith.constant true
      %reduce_sum3A_202 = vector.broadcast %reduce_sum3A_201 : i1 to vector<16xi1>
      %reduce_sum3A_203 = tpu.scan <sum>, %select_n3A_200 masked %reduce_sum3A_202 : vector<16xi32>, vector<16xi1> -> vector<16xi32>
      %reduce_sum3A_204 = vector.extract %reduce_sum3A_203[15] : i32 from vector<16xi32>
      %le3A_205 = vector.broadcast %reduce_sum3A_204 : i32 to vector<16xi32>
      %le3A_206 = arith.cmpi sle, %le3A_205, %add3A_32 : vector<16xi32>
      %jit3A_207 = arith.constant 1 : i32
      %jit3A_208 = arith.constant 0 : i32
      %broadcast_in_dim3A_209 = vector.broadcast %jit3A_207 : i32 to vector<16xi32>
      %broadcast_in_dim3A_210 = vector.broadcast %jit3A_208 : i32 to vector<16xi32>
      %select_n3A_211 = arith.select %le3A_206, %broadcast_in_dim3A_209, %broadcast_in_dim3A_210 : vector<16xi1>, vector<16xi32>
      %add3A_212 = arith.addi %add3A_194, %select_n3A_211 : vector<16xi32>
      %eq3A_213 = arith.constant 10 : i32
      %eq3A_214 = vector.broadcast %eq3A_213 : i32 to vector<16xi32>
      %eq3A_215 = arith.cmpi eq, %iota3A, %eq3A_214 : vector<16xi32>
      %jit3A_216 = arith.constant 0 : i32
      %broadcast_in_dim3A_217 = vector.broadcast %jit3A_216 : i32 to vector<16xi32>
      %select_n3A_218 = arith.select %eq3A_215, %masked_cumsum3A, %broadcast_in_dim3A_217 : vector<16xi1>, vector<16xi32>
      %reduce_sum3A_219 = arith.constant true
      %reduce_sum3A_220 = vector.broadcast %reduce_sum3A_219 : i1 to vector<16xi1>
      %reduce_sum3A_221 = tpu.scan <sum>, %select_n3A_218 masked %reduce_sum3A_220 : vector<16xi32>, vector<16xi1> -> vector<16xi32>
      %reduce_sum3A_222 = vector.extract %reduce_sum3A_221[15] : i32 from vector<16xi32>
      %le3A_223 = vector.broadcast %reduce_sum3A_222 : i32 to vector<16xi32>
      %le3A_224 = arith.cmpi sle, %le3A_223, %add3A_32 : vector<16xi32>
      %jit3A_225 = arith.constant 1 : i32
      %jit3A_226 = arith.constant 0 : i32
      %broadcast_in_dim3A_227 = vector.broadcast %jit3A_225 : i32 to vector<16xi32>
      %broadcast_in_dim3A_228 = vector.broadcast %jit3A_226 : i32 to vector<16xi32>
      %select_n3A_229 = arith.select %le3A_224, %broadcast_in_dim3A_227, %broadcast_in_dim3A_228 : vector<16xi1>, vector<16xi32>
      %add3A_230 = arith.addi %add3A_212, %select_n3A_229 : vector<16xi32>
      %eq3A_231 = arith.constant 11 : i32
      %eq3A_232 = vector.broadcast %eq3A_231 : i32 to vector<16xi32>
      %eq3A_233 = arith.cmpi eq, %iota3A, %eq3A_232 : vector<16xi32>
      %jit3A_234 = arith.constant 0 : i32
      %broadcast_in_dim3A_235 = vector.broadcast %jit3A_234 : i32 to vector<16xi32>
      %select_n3A_236 = arith.select %eq3A_233, %masked_cumsum3A, %broadcast_in_dim3A_235 : vector<16xi1>, vector<16xi32>
      %reduce_sum3A_237 = arith.constant true
      %reduce_sum3A_238 = vector.broadcast %reduce_sum3A_237 : i1 to vector<16xi1>
      %reduce_sum3A_239 = tpu.scan <sum>, %select_n3A_236 masked %reduce_sum3A_238 : vector<16xi32>, vector<16xi1> -> vector<16xi32>
      %reduce_sum3A_240 = vector.extract %reduce_sum3A_239[15] : i32 from vector<16xi32>
      %le3A_241 = vector.broadcast %reduce_sum3A_240 : i32 to vector<16xi32>
      %le3A_242 = arith.cmpi sle, %le3A_241, %add3A_32 : vector<16xi32>
      %jit3A_243 = arith.constant 1 : i32
      %jit3A_244 = arith.constant 0 : i32
      %broadcast_in_dim3A_245 = vector.broadcast %jit3A_243 : i32 to vector<16xi32>
      %broadcast_in_dim3A_246 = vector.broadcast %jit3A_244 : i32 to vector<16xi32>
      %select_n3A_247 = arith.select %le3A_242, %broadcast_in_dim3A_245, %broadcast_in_dim3A_246 : vector<16xi1>, vector<16xi32>
      %add3A_248 = arith.addi %add3A_230, %select_n3A_247 : vector<16xi32>
      %eq3A_249 = arith.constant 12 : i32
      %eq3A_250 = vector.broadcast %eq3A_249 : i32 to vector<16xi32>
      %eq3A_251 = arith.cmpi eq, %iota3A, %eq3A_250 : vector<16xi32>
      %jit3A_252 = arith.constant 0 : i32
      %broadcast_in_dim3A_253 = vector.broadcast %jit3A_252 : i32 to vector<16xi32>
      %select_n3A_254 = arith.select %eq3A_251, %masked_cumsum3A, %broadcast_in_dim3A_253 : vector<16xi1>, vector<16xi32>
      %reduce_sum3A_255 = arith.constant true
      %reduce_sum3A_256 = vector.broadcast %reduce_sum3A_255 : i1 to vector<16xi1>
      %reduce_sum3A_257 = tpu.scan <sum>, %select_n3A_254 masked %reduce_sum3A_256 : vector<16xi32>, vector<16xi1> -> vector<16xi32>
      %reduce_sum3A_258 = vector.extract %reduce_sum3A_257[15] : i32 from vector<16xi32>
      %le3A_259 = vector.broadcast %reduce_sum3A_258 : i32 to vector<16xi32>
      %le3A_260 = arith.cmpi sle, %le3A_259, %add3A_32 : vector<16xi32>
      %jit3A_261 = arith.constant 1 : i32
      %jit3A_262 = arith.constant 0 : i32
      %broadcast_in_dim3A_263 = vector.broadcast %jit3A_261 : i32 to vector<16xi32>
      %broadcast_in_dim3A_264 = vector.broadcast %jit3A_262 : i32 to vector<16xi32>
      %select_n3A_265 = arith.select %le3A_260, %broadcast_in_dim3A_263, %broadcast_in_dim3A_264 : vector<16xi1>, vector<16xi32>
      %add3A_266 = arith.addi %add3A_248, %select_n3A_265 : vector<16xi32>
      %eq3A_267 = arith.constant 13 : i32
      %eq3A_268 = vector.broadcast %eq3A_267 : i32 to vector<16xi32>
      %eq3A_269 = arith.cmpi eq, %iota3A, %eq3A_268 : vector<16xi32>
      %jit3A_270 = arith.constant 0 : i32
      %broadcast_in_dim3A_271 = vector.broadcast %jit3A_270 : i32 to vector<16xi32>
      %select_n3A_272 = arith.select %eq3A_269, %masked_cumsum3A, %broadcast_in_dim3A_271 : vector<16xi1>, vector<16xi32>
      %reduce_sum3A_273 = arith.constant true
      %reduce_sum3A_274 = vector.broadcast %reduce_sum3A_273 : i1 to vector<16xi1>
      %reduce_sum3A_275 = tpu.scan <sum>, %select_n3A_272 masked %reduce_sum3A_274 : vector<16xi32>, vector<16xi1> -> vector<16xi32>
      %reduce_sum3A_276 = vector.extract %reduce_sum3A_275[15] : i32 from vector<16xi32>
      %le3A_277 = vector.broadcast %reduce_sum3A_276 : i32 to vector<16xi32>
      %le3A_278 = arith.cmpi sle, %le3A_277, %add3A_32 : vector<16xi32>
      %jit3A_279 = arith.constant 1 : i32
      %jit3A_280 = arith.constant 0 : i32
      %broadcast_in_dim3A_281 = vector.broadcast %jit3A_279 : i32 to vector<16xi32>
      %broadcast_in_dim3A_282 = vector.broadcast %jit3A_280 : i32 to vector<16xi32>
      %select_n3A_283 = arith.select %le3A_278, %broadcast_in_dim3A_281, %broadcast_in_dim3A_282 : vector<16xi1>, vector<16xi32>
      %add3A_284 = arith.addi %add3A_266, %select_n3A_283 : vector<16xi32>
      %eq3A_285 = arith.constant 14 : i32
      %eq3A_286 = vector.broadcast %eq3A_285 : i32 to vector<16xi32>
      %eq3A_287 = arith.cmpi eq, %iota3A, %eq3A_286 : vector<16xi32>
      %jit3A_288 = arith.constant 0 : i32
      %broadcast_in_dim3A_289 = vector.broadcast %jit3A_288 : i32 to vector<16xi32>
      %select_n3A_290 = arith.select %eq3A_287, %masked_cumsum3A, %broadcast_in_dim3A_289 : vector<16xi1>, vector<16xi32>
      %reduce_sum3A_291 = arith.constant true
      %reduce_sum3A_292 = vector.broadcast %reduce_sum3A_291 : i1 to vector<16xi1>
      %reduce_sum3A_293 = tpu.scan <sum>, %select_n3A_290 masked %reduce_sum3A_292 : vector<16xi32>, vector<16xi1> -> vector<16xi32>
      %reduce_sum3A_294 = vector.extract %reduce_sum3A_293[15] : i32 from vector<16xi32>
      %le3A_295 = vector.broadcast %reduce_sum3A_294 : i32 to vector<16xi32>
      %le3A_296 = arith.cmpi sle, %le3A_295, %add3A_32 : vector<16xi32>
      %jit3A_297 = arith.constant 1 : i32
      %jit3A_298 = arith.constant 0 : i32
      %broadcast_in_dim3A_299 = vector.broadcast %jit3A_297 : i32 to vector<16xi32>
      %broadcast_in_dim3A_300 = vector.broadcast %jit3A_298 : i32 to vector<16xi32>
      %select_n3A_301 = arith.select %le3A_296, %broadcast_in_dim3A_299, %broadcast_in_dim3A_300 : vector<16xi1>, vector<16xi32>
      %add3A_302 = arith.addi %add3A_284, %select_n3A_301 : vector<16xi32>
      %eq3A_303 = arith.constant 15 : i32
      %eq3A_304 = vector.broadcast %eq3A_303 : i32 to vector<16xi32>
      %eq3A_305 = arith.cmpi eq, %iota3A, %eq3A_304 : vector<16xi32>
      %jit3A_306 = arith.constant 0 : i32
      %broadcast_in_dim3A_307 = vector.broadcast %jit3A_306 : i32 to vector<16xi32>
      %select_n3A_308 = arith.select %eq3A_305, %masked_cumsum3A, %broadcast_in_dim3A_307 : vector<16xi1>, vector<16xi32>
      %reduce_sum3A_309 = arith.constant true
      %reduce_sum3A_310 = vector.broadcast %reduce_sum3A_309 : i1 to vector<16xi1>
      %reduce_sum3A_311 = tpu.scan <sum>, %select_n3A_308 masked %reduce_sum3A_310 : vector<16xi32>, vector<16xi1> -> vector<16xi32>
      %reduce_sum3A_312 = vector.extract %reduce_sum3A_311[15] : i32 from vector<16xi32>
      %le3A_313 = vector.broadcast %reduce_sum3A_312 : i32 to vector<16xi32>
      %le3A_314 = arith.cmpi sle, %le3A_313, %add3A_32 : vector<16xi32>
      %jit3A_315 = arith.constant 1 : i32
      %jit3A_316 = arith.constant 0 : i32
      %broadcast_in_dim3A_317 = vector.broadcast %jit3A_315 : i32 to vector<16xi32>
      %broadcast_in_dim3A_318 = vector.broadcast %jit3A_316 : i32 to vector<16xi32>
      %select_n3A_319 = arith.select %le3A_314, %broadcast_in_dim3A_317, %broadcast_in_dim3A_318 : vector<16xi1>, vector<16xi32>
      %add3A_320 = arith.addi %add3A_302, %select_n3A_319 : vector<16xi32>
      %min3A = vector.broadcast %reduce_max3A_29 : i32 to vector<16xi32>
      %min3A_321 = arith.minsi %add3A_320, %min3A : vector<16xi32>
      %swap3A_322 = arith.constant 0 : index
      %swap3A_323 = tpu.vector_load %arg19[%swap3A_322] {strides = array<i32>} : memref<32xi32, #tpu.memory_space<vmem>>, vector<16xi32>,
      tpu.vector_store %arg19[%swap3A_322], %min3A_321 {strides = array<i32>} : memref<32xi32, #tpu.memory_space<vmem>>, vector<16xi32>,
      %add3A_324 = arith.constant 16 : i32
      %add3A_325 = vector.broadcast %add3A_324 : i32 to vector<16xi32>
      %add3A_326 = arith.addi %iota3A, %add3A_325 : vector<16xi32>
      %broadcast_in_dim3A_327 = arith.constant 0 : i32
      %broadcast_in_dim3A_328 = vector.broadcast %broadcast_in_dim3A_327 : i32 to vector<16xi32>
      %eq3A_329 = arith.constant 0 : i32
      %eq3A_330 = vector.broadcast %eq3A_329 : i32 to vector<16xi32>
      %eq3A_331 = arith.cmpi eq, %iota3A, %eq3A_330 : vector<16xi32>
      %jit3A_332 = arith.constant 0 : i32
      %broadcast_in_dim3A_333 = vector.broadcast %jit3A_332 : i32 to vector<16xi32>
      %select_n3A_334 = arith.select %eq3A_331, %masked_cumsum3A, %broadcast_in_dim3A_333 : vector<16xi1>, vector<16xi32>
      %reduce_sum3A_335 = arith.constant true
      %reduce_sum3A_336 = vector.broadcast %reduce_sum3A_335 : i1 to vector<16xi1>
      %reduce_sum3A_337 = tpu.scan <sum>, %select_n3A_334 masked %reduce_sum3A_336 : vector<16xi32>, vector<16xi1> -> vector<16xi32>
      %reduce_sum3A_338 = vector.extract %reduce_sum3A_337[15] : i32 from vector<16xi32>
      %le3A_339 = vector.broadcast %reduce_sum3A_338 : i32 to vector<16xi32>
      %le3A_340 = arith.cmpi sle, %le3A_339, %add3A_326 : vector<16xi32>
      %jit3A_341 = arith.constant 1 : i32
      %jit3A_342 = arith.constant 0 : i32
      %broadcast_in_dim3A_343 = vector.broadcast %jit3A_341 : i32 to vector<16xi32>
      %broadcast_in_dim3A_344 = vector.broadcast %jit3A_342 : i32 to vector<16xi32>
      %select_n3A_345 = arith.select %le3A_340, %broadcast_in_dim3A_343, %broadcast_in_dim3A_344 : vector<16xi1>, vector<16xi32>
      %add3A_346 = arith.addi %broadcast_in_dim3A_328, %select_n3A_345 : vector<16xi32>
      %eq3A_347 = arith.constant 1 : i32
      %eq3A_348 = vector.broadcast %eq3A_347 : i32 to vector<16xi32>
      %eq3A_349 = arith.cmpi eq, %iota3A, %eq3A_348 : vector<16xi32>
      %jit3A_350 = arith.constant 0 : i32
      %broadcast_in_dim3A_351 = vector.broadcast %jit3A_350 : i32 to vector<16xi32>
      %select_n3A_352 = arith.select %eq3A_349, %masked_cumsum3A, %broadcast_in_dim3A_351 : vector<16xi1>, vector<16xi32>
      %reduce_sum3A_353 = arith.constant true
      %reduce_sum3A_354 = vector.broadcast %reduce_sum3A_353 : i1 to vector<16xi1>
      %reduce_sum3A_355 = tpu.scan <sum>, %select_n3A_352 masked %reduce_sum3A_354 : vector<16xi32>, vector<16xi1> -> vector<16xi32>
      %reduce_sum3A_356 = vector.extract %reduce_sum3A_355[15] : i32 from vector<16xi32>
      %le3A_357 = vector.broadcast %reduce_sum3A_356 : i32 to vector<16xi32>
      %le3A_358 = arith.cmpi sle, %le3A_357, %add3A_326 : vector<16xi32>
      %jit3A_359 = arith.constant 1 : i32
      %jit3A_360 = arith.constant 0 : i32
      %broadcast_in_dim3A_361 = vector.broadcast %jit3A_359 : i32 to vector<16xi32>
      %broadcast_in_dim3A_362 = vector.broadcast %jit3A_360 : i32 to vector<16xi32>
      %select_n3A_363 = arith.select %le3A_358, %broadcast_in_dim3A_361, %broadcast_in_dim3A_362 : vector<16xi1>, vector<16xi32>
      %add3A_364 = arith.addi %add3A_346, %select_n3A_363 : vector<16xi32>
      %eq3A_365 = arith.constant 2 : i32
      %eq3A_366 = vector.broadcast %eq3A_365 : i32 to vector<16xi32>
      %eq3A_367 = arith.cmpi eq, %iota3A, %eq3A_366 : vector<16xi32>
      %jit3A_368 = arith.constant 0 : i32
      %broadcast_in_dim3A_369 = vector.broadcast %jit3A_368 : i32 to vector<16xi32>
      %select_n3A_370 = arith.select %eq3A_367, %masked_cumsum3A, %broadcast_in_dim3A_369 : vector<16xi1>, vector<16xi32>
      %reduce_sum3A_371 = arith.constant true
      %reduce_sum3A_372 = vector.broadcast %reduce_sum3A_371 : i1 to vector<16xi1>
      %reduce_sum3A_373 = tpu.scan <sum>, %select_n3A_370 masked %reduce_sum3A_372 : vector<16xi32>, vector<16xi1> -> vector<16xi32>
      %reduce_sum3A_374 = vector.extract %reduce_sum3A_373[15] : i32 from vector<16xi32>
      %le3A_375 = vector.broadcast %reduce_sum3A_374 : i32 to vector<16xi32>
      %le3A_376 = arith.cmpi sle, %le3A_375, %add3A_326 : vector<16xi32>
      %jit3A_377 = arith.constant 1 : i32
      %jit3A_378 = arith.constant 0 : i32
      %broadcast_in_dim3A_379 = vector.broadcast %jit3A_377 : i32 to vector<16xi32>
      %broadcast_in_dim3A_380 = vector.broadcast %jit3A_378 : i32 to vector<16xi32>
      %select_n3A_381 = arith.select %le3A_376, %broadcast_in_dim3A_379, %broadcast_in_dim3A_380 : vector<16xi1>, vector<16xi32>
      %add3A_382 = arith.addi %add3A_364, %select_n3A_381 : vector<16xi32>
      %eq3A_383 = arith.constant 3 : i32
      %eq3A_384 = vector.broadcast %eq3A_383 : i32 to vector<16xi32>
      %eq3A_385 = arith.cmpi eq, %iota3A, %eq3A_384 : vector<16xi32>
      %jit3A_386 = arith.constant 0 : i32
      %broadcast_in_dim3A_387 = vector.broadcast %jit3A_386 : i32 to vector<16xi32>
      %select_n3A_388 = arith.select %eq3A_385, %masked_cumsum3A, %broadcast_in_dim3A_387 : vector<16xi1>, vector<16xi32>
      %reduce_sum3A_389 = arith.constant true
      %reduce_sum3A_390 = vector.broadcast %reduce_sum3A_389 : i1 to vector<16xi1>
      %reduce_sum3A_391 = tpu.scan <sum>, %select_n3A_388 masked %reduce_sum3A_390 : vector<16xi32>, vector<16xi1> -> vector<16xi32>
      %reduce_sum3A_392 = vector.extract %reduce_sum3A_391[15] : i32 from vector<16xi32>
      %le3A_393 = vector.broadcast %reduce_sum3A_392 : i32 to vector<16xi32>
      %le3A_394 = arith.cmpi sle, %le3A_393, %add3A_326 : vector<16xi32>
      %jit3A_395 = arith.constant 1 : i32
      %jit3A_396 = arith.constant 0 : i32
      %broadcast_in_dim3A_397 = vector.broadcast %jit3A_395 : i32 to vector<16xi32>
      %broadcast_in_dim3A_398 = vector.broadcast %jit3A_396 : i32 to vector<16xi32>
      %select_n3A_399 = arith.select %le3A_394, %broadcast_in_dim3A_397, %broadcast_in_dim3A_398 : vector<16xi1>, vector<16xi32>
      %add3A_400 = arith.addi %add3A_382, %select_n3A_399 : vector<16xi32>
      %eq3A_401 = arith.constant 4 : i32
      %eq3A_402 = vector.broadcast %eq3A_401 : i32 to vector<16xi32>
      %eq3A_403 = arith.cmpi eq, %iota3A, %eq3A_402 : vector<16xi32>
      %jit3A_404 = arith.constant 0 : i32
      %broadcast_in_dim3A_405 = vector.broadcast %jit3A_404 : i32 to vector<16xi32>
      %select_n3A_406 = arith.select %eq3A_403, %masked_cumsum3A, %broadcast_in_dim3A_405 : vector<16xi1>, vector<16xi32>
      %reduce_sum3A_407 = arith.constant true
      %reduce_sum3A_408 = vector.broadcast %reduce_sum3A_407 : i1 to vector<16xi1>
      %reduce_sum3A_409 = tpu.scan <sum>, %select_n3A_406 masked %reduce_sum3A_408 : vector<16xi32>, vector<16xi1> -> vector<16xi32>
      %reduce_sum3A_410 = vector.extract %reduce_sum3A_409[15] : i32 from vector<16xi32>
      %le3A_411 = vector.broadcast %reduce_sum3A_410 : i32 to vector<16xi32>
      %le3A_412 = arith.cmpi sle, %le3A_411, %add3A_326 : vector<16xi32>
      %jit3A_413 = arith.constant 1 : i32
      %jit3A_414 = arith.constant 0 : i32
      %broadcast_in_dim3A_415 = vector.broadcast %jit3A_413 : i32 to vector<16xi32>
      %broadcast_in_dim3A_416 = vector.broadcast %jit3A_414 : i32 to vector<16xi32>
      %select_n3A_417 = arith.select %le3A_412, %broadcast_in_dim3A_415, %broadcast_in_dim3A_416 : vector<16xi1>, vector<16xi32>
      %add3A_418 = arith.addi %add3A_400, %select_n3A_417 : vector<16xi32>
      %eq3A_419 = arith.constant 5 : i32
      %eq3A_420 = vector.broadcast %eq3A_419 : i32 to vector<16xi32>
      %eq3A_421 = arith.cmpi eq, %iota3A, %eq3A_420 : vector<16xi32>
      %jit3A_422 = arith.constant 0 : i32
      %broadcast_in_dim3A_423 = vector.broadcast %jit3A_422 : i32 to vector<16xi32>
      %select_n3A_424 = arith.select %eq3A_421, %masked_cumsum3A, %broadcast_in_dim3A_423 : vector<16xi1>, vector<16xi32>
      %reduce_sum3A_425 = arith.constant true
      %reduce_sum3A_426 = vector.broadcast %reduce_sum3A_425 : i1 to vector<16xi1>
      %reduce_sum3A_427 = tpu.scan <sum>, %select_n3A_424 masked %reduce_sum3A_426 : vector<16xi32>, vector<16xi1> -> vector<16xi32>
      %reduce_sum3A_428 = vector.extract %reduce_sum3A_427[15] : i32 from vector<16xi32>
      %le3A_429 = vector.broadcast %reduce_sum3A_428 : i32 to vector<16xi32>
      %le3A_430 = arith.cmpi sle, %le3A_429, %add3A_326 : vector<16xi32>
      %jit3A_431 = arith.constant 1 : i32
      %jit3A_432 = arith.constant 0 : i32
      %broadcast_in_dim3A_433 = vector.broadcast %jit3A_431 : i32 to vector<16xi32>
      %broadcast_in_dim3A_434 = vector.broadcast %jit3A_432 : i32 to vector<16xi32>
      %select_n3A_435 = arith.select %le3A_430, %broadcast_in_dim3A_433, %broadcast_in_dim3A_434 : vector<16xi1>, vector<16xi32>
      %add3A_436 = arith.addi %add3A_418, %select_n3A_435 : vector<16xi32>
      %eq3A_437 = arith.constant 6 : i32
      %eq3A_438 = vector.broadcast %eq3A_437 : i32 to vector<16xi32>
      %eq3A_439 = arith.cmpi eq, %iota3A, %eq3A_438 : vector<16xi32>
      %jit3A_440 = arith.constant 0 : i32
      %broadcast_in_dim3A_441 = vector.broadcast %jit3A_440 : i32 to vector<16xi32>
      %select_n3A_442 = arith.select %eq3A_439, %masked_cumsum3A, %broadcast_in_dim3A_441 : vector<16xi1>, vector<16xi32>
      %reduce_sum3A_443 = arith.constant true
      %reduce_sum3A_444 = vector.broadcast %reduce_sum3A_443 : i1 to vector<16xi1>
      %reduce_sum3A_445 = tpu.scan <sum>, %select_n3A_442 masked %reduce_sum3A_444 : vector<16xi32>, vector<16xi1> -> vector<16xi32>
      %reduce_sum3A_446 = vector.extract %reduce_sum3A_445[15] : i32 from vector<16xi32>
      %le3A_447 = vector.broadcast %reduce_sum3A_446 : i32 to vector<16xi32>
      %le3A_448 = arith.cmpi sle, %le3A_447, %add3A_326 : vector<16xi32>
      %jit3A_449 = arith.constant 1 : i32
      %jit3A_450 = arith.constant 0 : i32
      %broadcast_in_dim3A_451 = vector.broadcast %jit3A_449 : i32 to vector<16xi32>
      %broadcast_in_dim3A_452 = vector.broadcast %jit3A_450 : i32 to vector<16xi32>
      %select_n3A_453 = arith.select %le3A_448, %broadcast_in_dim3A_451, %broadcast_in_dim3A_452 : vector<16xi1>, vector<16xi32>
      %add3A_454 = arith.addi %add3A_436, %select_n3A_453 : vector<16xi32>
      %eq3A_455 = arith.constant 7 : i32
      %eq3A_456 = vector.broadcast %eq3A_455 : i32 to vector<16xi32>
      %eq3A_457 = arith.cmpi eq, %iota3A, %eq3A_456 : vector<16xi32>
      %jit3A_458 = arith.constant 0 : i32
      %broadcast_in_dim3A_459 = vector.broadcast %jit3A_458 : i32 to vector<16xi32>
      %select_n3A_460 = arith.select %eq3A_457, %masked_cumsum3A, %broadcast_in_dim3A_459 : vector<16xi1>, vector<16xi32>
      %reduce_sum3A_461 = arith.constant true
      %reduce_sum3A_462 = vector.broadcast %reduce_sum3A_461 : i1 to vector<16xi1>
      %reduce_sum3A_463 = tpu.scan <sum>, %select_n3A_460 masked %reduce_sum3A_462 : vector<16xi32>, vector<16xi1> -> vector<16xi32>
      %reduce_sum3A_464 = vector.extract %reduce_sum3A_463[15] : i32 from vector<16xi32>
      %le3A_465 = vector.broadcast %reduce_sum3A_464 : i32 to vector<16xi32>
      %le3A_466 = arith.cmpi sle, %le3A_465, %add3A_326 : vector<16xi32>
      %jit3A_467 = arith.constant 1 : i32
      %jit3A_468 = arith.constant 0 : i32
      %broadcast_in_dim3A_469 = vector.broadcast %jit3A_467 : i32 to vector<16xi32>
      %broadcast_in_dim3A_470 = vector.broadcast %jit3A_468 : i32 to vector<16xi32>
      %select_n3A_471 = arith.select %le3A_466, %broadcast_in_dim3A_469, %broadcast_in_dim3A_470 : vector<16xi1>, vector<16xi32>
      %add3A_472 = arith.addi %add3A_454, %select_n3A_471 : vector<16xi32>
      %eq3A_473 = arith.constant 8 : i32
      %eq3A_474 = vector.broadcast %eq3A_473 : i32 to vector<16xi32>
      %eq3A_475 = arith.cmpi eq, %iota3A, %eq3A_474 : vector<16xi32>
      %jit3A_476 = arith.constant 0 : i32
      %broadcast_in_dim3A_477 = vector.broadcast %jit3A_476 : i32 to vector<16xi32>
      %select_n3A_478 = arith.select %eq3A_475, %masked_cumsum3A, %broadcast_in_dim3A_477 : vector<16xi1>, vector<16xi32>
      %reduce_sum3A_479 = arith.constant true
      %reduce_sum3A_480 = vector.broadcast %reduce_sum3A_479 : i1 to vector<16xi1>
      %reduce_sum3A_481 = tpu.scan <sum>, %select_n3A_478 masked %reduce_sum3A_480 : vector<16xi32>, vector<16xi1> -> vector<16xi32>
      %reduce_sum3A_482 = vector.extract %reduce_sum3A_481[15] : i32 from vector<16xi32>
      %le3A_483 = vector.broadcast %reduce_sum3A_482 : i32 to vector<16xi32>
      %le3A_484 = arith.cmpi sle, %le3A_483, %add3A_326 : vector<16xi32>
      %jit3A_485 = arith.constant 1 : i32
      %jit3A_486 = arith.constant 0 : i32
      %broadcast_in_dim3A_487 = vector.broadcast %jit3A_485 : i32 to vector<16xi32>
      %broadcast_in_dim3A_488 = vector.broadcast %jit3A_486 : i32 to vector<16xi32>
      %select_n3A_489 = arith.select %le3A_484, %broadcast_in_dim3A_487, %broadcast_in_dim3A_488 : vector<16xi1>, vector<16xi32>
      %add3A_490 = arith.addi %add3A_472, %select_n3A_489 : vector<16xi32>
      %eq3A_491 = arith.constant 9 : i32
      %eq3A_492 = vector.broadcast %eq3A_491 : i32 to vector<16xi32>
      %eq3A_493 = arith.cmpi eq, %iota3A, %eq3A_492 : vector<16xi32>
      %jit3A_494 = arith.constant 0 : i32
      %broadcast_in_dim3A_495 = vector.broadcast %jit3A_494 : i32 to vector<16xi32>
      %select_n3A_496 = arith.select %eq3A_493, %masked_cumsum3A, %broadcast_in_dim3A_495 : vector<16xi1>, vector<16xi32>
      %reduce_sum3A_497 = arith.constant true
      %reduce_sum3A_498 = vector.broadcast %reduce_sum3A_497 : i1 to vector<16xi1>
      %reduce_sum3A_499 = tpu.scan <sum>, %select_n3A_496 masked %reduce_sum3A_498 : vector<16xi32>, vector<16xi1> -> vector<16xi32>
      %reduce_sum3A_500 = vector.extract %reduce_sum3A_499[15] : i32 from vector<16xi32>
      %le3A_501 = vector.broadcast %reduce_sum3A_500 : i32 to vector<16xi32>
      %le3A_502 = arith.cmpi sle, %le3A_501, %add3A_326 : vector<16xi32>
      %jit3A_503 = arith.constant 1 : i32
      %jit3A_504 = arith.constant 0 : i32
      %broadcast_in_dim3A_505 = vector.broadcast %jit3A_503 : i32 to vector<16xi32>
      %broadcast_in_dim3A_506 = vector.broadcast %jit3A_504 : i32 to vector<16xi32>
      %select_n3A_507 = arith.select %le3A_502, %broadcast_in_dim3A_505, %broadcast_in_dim3A_506 : vector<16xi1>, vector<16xi32>
      %add3A_508 = arith.addi %add3A_490, %select_n3A_507 : vector<16xi32>
      %eq3A_509 = arith.constant 10 : i32
      %eq3A_510 = vector.broadcast %eq3A_509 : i32 to vector<16xi32>
      %eq3A_511 = arith.cmpi eq, %iota3A, %eq3A_510 : vector<16xi32>
      %jit3A_512 = arith.constant 0 : i32
      %broadcast_in_dim3A_513 = vector.broadcast %jit3A_512 : i32 to vector<16xi32>
      %select_n3A_514 = arith.select %eq3A_511, %masked_cumsum3A, %broadcast_in_dim3A_513 : vector<16xi1>, vector<16xi32>
      %reduce_sum3A_515 = arith.constant true
      %reduce_sum3A_516 = vector.broadcast %reduce_sum3A_515 : i1 to vector<16xi1>
      %reduce_sum3A_517 = tpu.scan <sum>, %select_n3A_514 masked %reduce_sum3A_516 : vector<16xi32>, vector<16xi1> -> vector<16xi32>
      %reduce_sum3A_518 = vector.extract %reduce_sum3A_517[15] : i32 from vector<16xi32>
      %le3A_519 = vector.broadcast %reduce_sum3A_518 : i32 to vector<16xi32>
      %le3A_520 = arith.cmpi sle, %le3A_519, %add3A_326 : vector<16xi32>
      %jit3A_521 = arith.constant 1 : i32
      %jit3A_522 = arith.constant 0 : i32
      %broadcast_in_dim3A_523 = vector.broadcast %jit3A_521 : i32 to vector<16xi32>
      %broadcast_in_dim3A_524 = vector.broadcast %jit3A_522 : i32 to vector<16xi32>
      %select_n3A_525 = arith.select %le3A_520, %broadcast_in_dim3A_523, %broadcast_in_dim3A_524 : vector<16xi1>, vector<16xi32>
      %add3A_526 = arith.addi %add3A_508, %select_n3A_525 : vector<16xi32>
      %eq3A_527 = arith.constant 11 : i32
      %eq3A_528 = vector.broadcast %eq3A_527 : i32 to vector<16xi32>
      %eq3A_529 = arith.cmpi eq, %iota3A, %eq3A_528 : vector<16xi32>
      %jit3A_530 = arith.constant 0 : i32
      %broadcast_in_dim3A_531 = vector.broadcast %jit3A_530 : i32 to vector<16xi32>
      %select_n3A_532 = arith.select %eq3A_529, %masked_cumsum3A, %broadcast_in_dim3A_531 : vector<16xi1>, vector<16xi32>
      %reduce_sum3A_533 = arith.constant true
      %reduce_sum3A_534 = vector.broadcast %reduce_sum3A_533 : i1 to vector<16xi1>
      %reduce_sum3A_535 = tpu.scan <sum>, %select_n3A_532 masked %reduce_sum3A_534 : vector<16xi32>, vector<16xi1> -> vector<16xi32>
      %reduce_sum3A_536 = vector.extract %reduce_sum3A_535[15] : i32 from vector<16xi32>
      %le3A_537 = vector.broadcast %reduce_sum3A_536 : i32 to vector<16xi32>
      %le3A_538 = arith.cmpi sle, %le3A_537, %add3A_326 : vector<16xi32>
      %jit3A_539 = arith.constant 1 : i32
      %jit3A_540 = arith.constant 0 : i32
      %broadcast_in_dim3A_541 = vector.broadcast %jit3A_539 : i32 to vector<16xi32>
      %broadcast_in_dim3A_542 = vector.broadcast %jit3A_540 : i32 to vector<16xi32>
      %select_n3A_543 = arith.select %le3A_538, %broadcast_in_dim3A_541, %broadcast_in_dim3A_542 : vector<16xi1>, vector<16xi32>
      %add3A_544 = arith.addi %add3A_526, %select_n3A_543 : vector<16xi32>
      %eq3A_545 = arith.constant 12 : i32
      %eq3A_546 = vector.broadcast %eq3A_545 : i32 to vector<16xi32>
      %eq3A_547 = arith.cmpi eq, %iota3A, %eq3A_546 : vector<16xi32>
      %jit3A_548 = arith.constant 0 : i32
      %broadcast_in_dim3A_549 = vector.broadcast %jit3A_548 : i32 to vector<16xi32>
      %select_n3A_550 = arith.select %eq3A_547, %masked_cumsum3A, %broadcast_in_dim3A_549 : vector<16xi1>, vector<16xi32>
      %reduce_sum3A_551 = arith.constant true
      %reduce_sum3A_552 = vector.broadcast %reduce_sum3A_551 : i1 to vector<16xi1>
      %reduce_sum3A_553 = tpu.scan <sum>, %select_n3A_550 masked %reduce_sum3A_552 : vector<16xi32>, vector<16xi1> -> vector<16xi32>
      %reduce_sum3A_554 = vector.extract %reduce_sum3A_553[15] : i32 from vector<16xi32>
      %le3A_555 = vector.broadcast %reduce_sum3A_554 : i32 to vector<16xi32>
      %le3A_556 = arith.cmpi sle, %le3A_555, %add3A_326 : vector<16xi32>
      %jit3A_557 = arith.constant 1 : i32
      %jit3A_558 = arith.constant 0 : i32
      %broadcast_in_dim3A_559 = vector.broadcast %jit3A_557 : i32 to vector<16xi32>
      %broadcast_in_dim3A_560 = vector.broadcast %jit3A_558 : i32 to vector<16xi32>
      %select_n3A_561 = arith.select %le3A_556, %broadcast_in_dim3A_559, %broadcast_in_dim3A_560 : vector<16xi1>, vector<16xi32>
      %add3A_562 = arith.addi %add3A_544, %select_n3A_561 : vector<16xi32>
      %eq3A_563 = arith.constant 13 : i32
      %eq3A_564 = vector.broadcast %eq3A_563 : i32 to vector<16xi32>
      %eq3A_565 = arith.cmpi eq, %iota3A, %eq3A_564 : vector<16xi32>
      %jit3A_566 = arith.constant 0 : i32
      %broadcast_in_dim3A_567 = vector.broadcast %jit3A_566 : i32 to vector<16xi32>
      %select_n3A_568 = arith.select %eq3A_565, %masked_cumsum3A, %broadcast_in_dim3A_567 : vector<16xi1>, vector<16xi32>
      %reduce_sum3A_569 = arith.constant true
      %reduce_sum3A_570 = vector.broadcast %reduce_sum3A_569 : i1 to vector<16xi1>
      %reduce_sum3A_571 = tpu.scan <sum>, %select_n3A_568 masked %reduce_sum3A_570 : vector<16xi32>, vector<16xi1> -> vector<16xi32>
      %reduce_sum3A_572 = vector.extract %reduce_sum3A_571[15] : i32 from vector<16xi32>
      %le3A_573 = vector.broadcast %reduce_sum3A_572 : i32 to vector<16xi32>
      %le3A_574 = arith.cmpi sle, %le3A_573, %add3A_326 : vector<16xi32>
      %jit3A_575 = arith.constant 1 : i32
      %jit3A_576 = arith.constant 0 : i32
      %broadcast_in_dim3A_577 = vector.broadcast %jit3A_575 : i32 to vector<16xi32>
      %broadcast_in_dim3A_578 = vector.broadcast %jit3A_576 : i32 to vector<16xi32>
      %select_n3A_579 = arith.select %le3A_574, %broadcast_in_dim3A_577, %broadcast_in_dim3A_578 : vector<16xi1>, vector<16xi32>
      %add3A_580 = arith.addi %add3A_562, %select_n3A_579 : vector<16xi32>
      %eq3A_581 = arith.constant 14 : i32
      %eq3A_582 = vector.broadcast %eq3A_581 : i32 to vector<16xi32>
      %eq3A_583 = arith.cmpi eq, %iota3A, %eq3A_582 : vector<16xi32>
      %jit3A_584 = arith.constant 0 : i32
      %broadcast_in_dim3A_585 = vector.broadcast %jit3A_584 : i32 to vector<16xi32>
      %select_n3A_586 = arith.select %eq3A_583, %masked_cumsum3A, %broadcast_in_dim3A_585 : vector<16xi1>, vector<16xi32>
      %reduce_sum3A_587 = arith.constant true
      %reduce_sum3A_588 = vector.broadcast %reduce_sum3A_587 : i1 to vector<16xi1>
      %reduce_sum3A_589 = tpu.scan <sum>, %select_n3A_586 masked %reduce_sum3A_588 : vector<16xi32>, vector<16xi1> -> vector<16xi32>
      %reduce_sum3A_590 = vector.extract %reduce_sum3A_589[15] : i32 from vector<16xi32>
      %le3A_591 = vector.broadcast %reduce_sum3A_590 : i32 to vector<16xi32>
      %le3A_592 = arith.cmpi sle, %le3A_591, %add3A_326 : vector<16xi32>
      %jit3A_593 = arith.constant 1 : i32
      %jit3A_594 = arith.constant 0 : i32
      %broadcast_in_dim3A_595 = vector.broadcast %jit3A_593 : i32 to vector<16xi32>
      %broadcast_in_dim3A_596 = vector.broadcast %jit3A_594 : i32 to vector<16xi32>
      %select_n3A_597 = arith.select %le3A_592, %broadcast_in_dim3A_595, %broadcast_in_dim3A_596 : vector<16xi1>, vector<16xi32>
      %add3A_598 = arith.addi %add3A_580, %select_n3A_597 : vector<16xi32>
      %eq3A_599 = arith.constant 15 : i32
      %eq3A_600 = vector.broadcast %eq3A_599 : i32 to vector<16xi32>
      %eq3A_601 = arith.cmpi eq, %iota3A, %eq3A_600 : vector<16xi32>
      %jit3A_602 = arith.constant 0 : i32
      %broadcast_in_dim3A_603 = vector.broadcast %jit3A_602 : i32 to vector<16xi32>
      %select_n3A_604 = arith.select %eq3A_601, %masked_cumsum3A, %broadcast_in_dim3A_603 : vector<16xi1>, vector<16xi32>
      %reduce_sum3A_605 = arith.constant true
      %reduce_sum3A_606 = vector.broadcast %reduce_sum3A_605 : i1 to vector<16xi1>
      %reduce_sum3A_607 = tpu.scan <sum>, %select_n3A_604 masked %reduce_sum3A_606 : vector<16xi32>, vector<16xi1> -> vector<16xi32>
      %reduce_sum3A_608 = vector.extract %reduce_sum3A_607[15] : i32 from vector<16xi32>
      %le3A_609 = vector.broadcast %reduce_sum3A_608 : i32 to vector<16xi32>
      %le3A_610 = arith.cmpi sle, %le3A_609, %add3A_326 : vector<16xi32>
      %jit3A_611 = arith.constant 1 : i32
      %jit3A_612 = arith.constant 0 : i32
      %broadcast_in_dim3A_613 = vector.broadcast %jit3A_611 : i32 to vector<16xi32>
      %broadcast_in_dim3A_614 = vector.broadcast %jit3A_612 : i32 to vector<16xi32>
      %select_n3A_615 = arith.select %le3A_610, %broadcast_in_dim3A_613, %broadcast_in_dim3A_614 : vector<16xi1>, vector<16xi32>
      %add3A_616 = arith.addi %add3A_598, %select_n3A_615 : vector<16xi32>
      %min3A_617 = vector.broadcast %reduce_max3A_29 : i32 to vector<16xi32>
      %min3A_618 = arith.minsi %add3A_616, %min3A_617 : vector<16xi32>
      %swap3A_619 = arith.constant 16 : index
      %swap3A_620 = tpu.vector_load %arg19[%swap3A_619] {strides = array<i32>} : memref<32xi32, #tpu.memory_space<vmem>>, vector<16xi32>,
      tpu.vector_store %arg19[%swap3A_619], %min3A_618 {strides = array<i32>} : memref<32xi32, #tpu.memory_space<vmem>>, vector<16xi32>,
      %broadcast_in_dim3A_621 = arith.constant 0.000000e+00 : f32
      %broadcast_in_dim3A_622 = vector.broadcast %broadcast_in_dim3A_621 : f32 to vector<16xf32>
      %scan3A = arith.constant 0 : i32
      %scan3A_623 = arith.constant 0 : i32
      %scan3A_624 = arith.constant 256 : i32
      %scan3A_625 = arith.addi %scan3A_623, %scan3A_624 : i32
      %scan3A_626 = arith.constant 1 : i32
      scf.for %scan3A_639 = %scan3A_623 to %scan3A_625 step %scan3A_626  : i32 {
        %mul3A_640 = arith.constant 16 : i32
        %mul3A_641 = arith.muli %scan3A_639, %mul3A_640 : i32
        %add3A_642 = vector.broadcast %mul3A_641 : i32 to vector<16xi32>
        %add3A_643 = arith.addi %iota3A, %add3A_642 : vector<16xi32>
        %and3A = arith.constant 2047 : i32
        %and3A_644 = vector.broadcast %and3A : i32 to vector<16xi32>
        %and3A_645 = arith.andi %add3A_643, %and3A_644 : vector<16xi32>
        %mul3A_646 = arith.constant 16 : i32
        %mul3A_647 = arith.muli %scan3A_639, %mul3A_646 : i32
        %swap3A_648 = arith.index_cast %mul3A_647 : i32 to index
        %swap3A_649 = tpu.vector_load %arg17[%swap3A_648] {strides = array<i32>} : memref<4096xi32, #tpu.memory_space<vmem>>, vector<16xi32>,
        tpu.vector_store %arg17[%swap3A_648], %and3A_645 {strides = array<i32>} : memref<4096xi32, #tpu.memory_space<vmem>>, vector<16xi32>,
        %mul3A_650 = arith.constant 16 : i32
        %mul3A_651 = arith.muli %scan3A_639, %mul3A_650 : i32
        %swap3A_652 = arith.index_cast %mul3A_651 : i32 to index
        %swap3A_653 = tpu.vector_load %arg18[%swap3A_652] {strides = array<i32>} : memref<4096xf32, #tpu.memory_space<vmem>>, vector<16xf32>,
        tpu.vector_store %arg18[%swap3A_652], %broadcast_in_dim3A_622 {strides = array<i32>} : memref<4096xf32, #tpu.memory_space<vmem>>, vector<16xf32>,
      }
      %scan3A_627 = arith.constant 256 : i32
      %scan3A_628 = arith.constant 0 : i32
      %scan3A_629 = arith.constant 0 : i32
      %scan3A_630 = arith.constant 128 : i32
      %scan3A_631 = arith.addi %scan3A_629, %scan3A_630 : i32
      %scan3A_632 = arith.constant 1 : i32
      scf.for %scan3A_639 = %scan3A_629 to %scan3A_631 step %scan3A_632  : i32 {
        %mul3A_640 = arith.constant 16 : i32
        %mul3A_641 = arith.muli %scan3A_639, %mul3A_640 : i32
        %get3A_642 = arith.index_cast %mul3A_641 : i32 to index
        %get3A_643 = tpu.vector_load %arg11[%get3A_642] {strides = array<i32>} : memref<2048xi32, #tpu.memory_space<vmem>>, vector<16xi32>,
        %get3A_644 = arith.index_cast %mul3A_641 : i32 to index
        %get3A_645 = tpu.vector_load %arg12[%get3A_644] {strides = array<i32>} : memref<2048xi32, #tpu.memory_space<vmem>>, vector<16xi32>,
        %get3A_646 = arith.index_cast %mul3A_641 : i32 to index
        %get3A_647 = tpu.vector_load %arg13[%get3A_646] {strides = array<i32>} : memref<2048xf32, #tpu.memory_space<vmem>>, vector<16xf32>,
        %gather3A = tpu.vector_load_idx %arg15[%get3A_643] : memref<16xi32, #tpu.memory_space<vmem>>[vector<16xi32>], vector<16xi32>,
        %add3A_648 = arith.addi %gather3A, %get3A_645 : vector<16xi32>
        %swap3A_649 = arith.index_cast %mul3A_641 : i32 to index
        %swap3A_650 = tpu.vector_load %arg16[%swap3A_649] {strides = array<i32>} : memref<2048xi32, #tpu.memory_space<vmem>>, vector<16xi32>,
        tpu.vector_store %arg16[%swap3A_649], %add3A_648 {strides = array<i32>} : memref<2048xi32, #tpu.memory_space<vmem>>, vector<16xi32>,
        %add3A_651 = vector.broadcast %mul3A_641 : i32 to vector<16xi32>
        %add3A_652 = arith.addi %iota3A, %add3A_651 : vector<16xi32>
        tpu.vector_store_idx %arg17[%add3A_648], %add3A_652 : memref<4096xi32, #tpu.memory_space<vmem>>[vector<16xi32>], vector<16xi32>,
        tpu.vector_store_idx %arg18[%add3A_648], %get3A_647 : memref<4096xf32, #tpu.memory_space<vmem>>[vector<16xi32>], vector<16xf32>,
      }
      %scan3A_633 = arith.constant 128 : i32
      "tpu.region"() ({
        %run_scoped3A = tpu.sem_alloc : memref<!tpu.dma_semaphore, #tpu.memory_space<semaphore_mem>>
        tpu.enqueue_dma source(%arg17 : memref<4096xi32, #tpu.memory_space<vmem>>) target(%arg20 : memref<4096xi32, #tpu.memory_space<vmem_shared>>) target_semaphore(%run_scoped3A : memref<!tpu.dma_semaphore, #tpu.memory_space<semaphore_mem>>)
        tpu.wait_dma2 semaphore(%run_scoped3A : memref<!tpu.dma_semaphore, #tpu.memory_space<semaphore_mem>>) src(%arg17 : memref<4096xi32, #tpu.memory_space<vmem>>) dst(%arg20 : memref<4096xi32, #tpu.memory_space<vmem_shared>>)
        tpu.yield
      }) : () -> ()
      %eq3A_634 = arith.constant 0 : i32
      %eq3A_635 = arith.cmpi eq, %arg0, %eq3A_634 : i32
      %convert_element_type3A_636 = arith.extui %eq3A_635 : i1 to i32
      %cond3A_637 = arith.constant 0 : i32
      %cond3A_638 = arith.cmpi ne, %convert_element_type3A_636, %cond3A_637 : i32
      scf.if %cond3A_638 {
        "tpu.region"() ({
          %run_scoped3A = tpu.sem_alloc : memref<!tpu.dma_semaphore, #tpu.memory_space<semaphore_mem>>
          tpu.enqueue_dma source(%arg16 : memref<2048xi32, #tpu.memory_space<vmem>>) target(%arg7 : memref<2048xi32, #tpu.memory_space<hbm>>) target_semaphore(%run_scoped3A : memref<!tpu.dma_semaphore, #tpu.memory_space<semaphore_mem>>)
          tpu.wait_dma2 semaphore(%run_scoped3A : memref<!tpu.dma_semaphore, #tpu.memory_space<semaphore_mem>>) src(%arg16 : memref<2048xi32, #tpu.memory_space<vmem>>) dst(%arg7 : memref<2048xi32, #tpu.memory_space<hbm>>)
          tpu.yield
        }) : () -> ()
        "tpu.region"() ({
          %run_scoped3A = tpu.sem_alloc : memref<!tpu.dma_semaphore, #tpu.memory_space<semaphore_mem>>
          tpu.enqueue_dma source(%arg18 : memref<4096xf32, #tpu.memory_space<vmem>>) target(%arg8 : memref<4096xf32, #tpu.memory_space<hbm>>) target_semaphore(%run_scoped3A : memref<!tpu.dma_semaphore, #tpu.memory_space<semaphore_mem>>)
          tpu.wait_dma2 semaphore(%run_scoped3A : memref<!tpu.dma_semaphore, #tpu.memory_space<semaphore_mem>>) src(%arg18 : memref<4096xf32, #tpu.memory_space<vmem>>) dst(%arg8 : memref<4096xf32, #tpu.memory_space<hbm>>)
          tpu.yield
        }) : () -> ()
        "tpu.region"() ({
          %run_scoped3A = tpu.sem_alloc : memref<!tpu.dma_semaphore, #tpu.memory_space<semaphore_mem>>
          tpu.enqueue_dma source(%arg19 : memref<32xi32, #tpu.memory_space<vmem>>) target(%arg9 : memref<32xi32, #tpu.memory_space<hbm>>) target_semaphore(%run_scoped3A : memref<!tpu.dma_semaphore, #tpu.memory_space<semaphore_mem>>)
          tpu.wait_dma2 semaphore(%run_scoped3A : memref<!tpu.dma_semaphore, #tpu.memory_space<semaphore_mem>>) src(%arg19 : memref<32xi32, #tpu.memory_space<vmem>>) dst(%arg9 : memref<32xi32, #tpu.memory_space<hbm>>)
          tpu.yield
        }) : () -> ()
      } else {
      }
    } else {
    }
    %barrier3A = arith.constant 0 : index
    tpu.barrier barrier_id(%barrier3A)
    %mul3A = arith.constant 2 : i32
    %mul3A_2 = arith.muli %arg1, %mul3A : i32
    %add3A = arith.addi %mul3A_2, %arg0 : i32
    %mul3A_3 = arith.constant 128 : i32
    %mul3A_4 = arith.muli %add3A, %mul3A_3 : i32
    "tpu.region"() ({
      %run_scoped3A = tpu.sem_alloc : memref<!tpu.dma_semaphore, #tpu.memory_space<semaphore_mem>>
      %dma_start3A_9 = tpu.memref_slice %arg20[%mul3A_4] : memref<4096xi32, #tpu.memory_space<vmem_shared>> -> memref<128xi32, #tpu.memory_space<vmem_shared>>
      %dma_start3A_10 = tpu.memref_slice %arg20[%mul3A_4] : memref<4096xi32, #tpu.memory_space<vmem_shared>> -> memref<128xi32, #tpu.memory_space<vmem_shared>>
      tpu.enqueue_dma source(%dma_start3A_10 : memref<128xi32, #tpu.memory_space<vmem_shared>>) target(%arg21 : memref<128xi32, #tpu.memory_space<vmem>>) target_semaphore(%run_scoped3A : memref<!tpu.dma_semaphore, #tpu.memory_space<semaphore_mem>>)
      %dma_wait3A_11 = tpu.memref_slice %arg20[%mul3A_4] : memref<4096xi32, #tpu.memory_space<vmem_shared>> -> memref<128xi32, #tpu.memory_space<vmem_shared>>
      %dma_wait3A_12 = tpu.memref_slice %arg20[%mul3A_4] : memref<4096xi32, #tpu.memory_space<vmem_shared>> -> memref<128xi32, #tpu.memory_space<vmem_shared>>
      tpu.wait_dma2 semaphore(%run_scoped3A : memref<!tpu.dma_semaphore, #tpu.memory_space<semaphore_mem>>) src(%dma_wait3A_12 : memref<128xi32, #tpu.memory_space<vmem_shared>>) dst(%arg21 : memref<128xi32, #tpu.memory_space<vmem>>)
      tpu.yield
    }) : () -> ()
    %dma_start3A = arith.constant 0 : i32
    %dma_start3A_5 = arith.constant 0 : i32
    %dma_start3A_6 = tpu.memref_slice %arg6[%dma_start3A, %dma_start3A_5] : memref<2048x768xf32, #tpu.memory_space<hbm>> -> memref<2048x768xf32, #tpu.memory_space<hbm>>
    tpu.enqueue_indirect_dma source(%dma_start3A_6 : memref<2048x768xf32, #tpu.memory_space<hbm>>) target(%arg22 : memref<128x768xf32, #tpu.memory_space<vmem>>) offsets(%arg21 : memref<128xi32, #tpu.memory_space<vmem>>) semaphore(%arg23 : memref<!tpu.dma_semaphore, #tpu.memory_space<semaphore_mem>>)
    %dma_wait3A = arith.constant 0 : i32
    %dma_wait3A_7 = arith.constant 0 : i32
    %dma_wait3A_8 = tpu.memref_slice %arg6[%dma_wait3A, %dma_wait3A_7] : memref<2048x768xf32, #tpu.memory_space<hbm>> -> memref<2048x768xf32, #tpu.memory_space<hbm>>
    tpu.wait_indirect_dma semaphore(%arg23 : memref<!tpu.dma_semaphore, #tpu.memory_space<semaphore_mem>>) src(%dma_wait3A_8 : memref<2048x768xf32, #tpu.memory_space<hbm>>) dst(%arg22 : memref<128x768xf32, #tpu.memory_space<vmem>>)
    "tpu.region"() ({
      %run_scoped3A = tpu.sem_alloc : memref<!tpu.dma_semaphore, #tpu.memory_space<semaphore_mem>>
      %dma_start3A_9 = arith.constant 0 : i32
      %dma_start3A_10 = tpu.memref_slice %arg10[%mul3A_4, %dma_start3A_9] : memref<4096x768xf32, #tpu.memory_space<hbm>> -> memref<128x768xf32, #tpu.memory_space<hbm>>
      %dma_start3A_11 = arith.constant 0 : i32
      %dma_start3A_12 = tpu.memref_slice %arg10[%mul3A_4, %dma_start3A_11] : memref<4096x768xf32, #tpu.memory_space<hbm>> -> memref<128x768xf32, #tpu.memory_space<hbm>>
      tpu.enqueue_dma source(%arg22 : memref<128x768xf32, #tpu.memory_space<vmem>>) target(%dma_start3A_12 : memref<128x768xf32, #tpu.memory_space<hbm>>) target_semaphore(%run_scoped3A : memref<!tpu.dma_semaphore, #tpu.memory_space<semaphore_mem>>)
      %dma_wait3A_13 = arith.constant 0 : i32
      %dma_wait3A_14 = tpu.memref_slice %arg10[%mul3A_4, %dma_wait3A_13] : memref<4096x768xf32, #tpu.memory_space<hbm>> -> memref<128x768xf32, #tpu.memory_space<hbm>>
      %dma_wait3A_15 = arith.constant 0 : i32
      %dma_wait3A_16 = tpu.memref_slice %arg10[%mul3A_4, %dma_wait3A_15] : memref<4096x768xf32, #tpu.memory_space<hbm>> -> memref<128x768xf32, #tpu.memory_space<hbm>>
      tpu.wait_dma2 semaphore(%run_scoped3A : memref<!tpu.dma_semaphore, #tpu.memory_space<semaphore_mem>>) src(%arg22 : memref<128x768xf32, #tpu.memory_space<vmem>>) dst(%dma_wait3A_16 : memref<128x768xf32, #tpu.memory_space<hbm>>)
      tpu.yield
    }) : () -> ()
    return
  }
}

#map = affine_map<(d0, d1) -> (0, 0)>
#map1 = affine_map<(d0, d1) -> (0)>
module attributes {stable_mosaic.version = 14 : i64} {
  func.func @_combine_body(%arg0: i32, %arg1: i32, %arg2: memref<4096x768xf32, #tpu.memory_space<hbm>>, %arg3: memref<2048xi32, #tpu.memory_space<hbm>>, %arg4: memref<2048x768xf32, #tpu.memory_space<hbm>>, %arg5: memref<64xi32, #tpu.memory_space<vmem>>, %arg6: memref<64x768xf32, #tpu.memory_space<vmem>>, %arg7: memref<!tpu.dma_semaphore, #tpu.memory_space<semaphore_mem>>) attributes {dimension_semantics = [#tpu.dimension_semantics<core_parallel>, #tpu.dimension_semantics<subcore_parallel>], iteration_bounds = array<i64: 2, 16>, scalar_prefetch = 0 : i64, scratch_operands = 3 : i64, tpu.core_type = #tpu.core_type<sc_vector_subcore>, window_params = [{transform_indices = #map}, {transform_indices = #map1}, {transform_indices = #map}]} {
    %mul3A = arith.constant 2 : i32
    %mul3A_0 = arith.muli %arg1, %mul3A : i32
    %add3A = arith.addi %mul3A_0, %arg0 : i32
    %mul3A_1 = arith.constant 64 : i32
    %mul3A_2 = arith.muli %add3A, %mul3A_1 : i32
    "tpu.region"() ({
      %run_scoped3A = tpu.sem_alloc : memref<!tpu.dma_semaphore, #tpu.memory_space<semaphore_mem>>
      %dma_start3A_7 = tpu.memref_slice %arg3[%mul3A_2] : memref<2048xi32, #tpu.memory_space<hbm>> -> memref<64xi32, #tpu.memory_space<hbm>>
      %dma_start3A_8 = tpu.memref_slice %arg3[%mul3A_2] : memref<2048xi32, #tpu.memory_space<hbm>> -> memref<64xi32, #tpu.memory_space<hbm>>
      tpu.enqueue_dma source(%dma_start3A_8 : memref<64xi32, #tpu.memory_space<hbm>>) target(%arg5 : memref<64xi32, #tpu.memory_space<vmem>>) target_semaphore(%run_scoped3A : memref<!tpu.dma_semaphore, #tpu.memory_space<semaphore_mem>>)
      %dma_wait3A_9 = tpu.memref_slice %arg3[%mul3A_2] : memref<2048xi32, #tpu.memory_space<hbm>> -> memref<64xi32, #tpu.memory_space<hbm>>
      %dma_wait3A_10 = tpu.memref_slice %arg3[%mul3A_2] : memref<2048xi32, #tpu.memory_space<hbm>> -> memref<64xi32, #tpu.memory_space<hbm>>
      tpu.wait_dma2 semaphore(%run_scoped3A : memref<!tpu.dma_semaphore, #tpu.memory_space<semaphore_mem>>) src(%dma_wait3A_10 : memref<64xi32, #tpu.memory_space<hbm>>) dst(%arg5 : memref<64xi32, #tpu.memory_space<vmem>>)
      tpu.yield
    }) : () -> ()
    %dma_start3A = arith.constant 0 : i32
    %dma_start3A_3 = arith.constant 0 : i32
    %dma_start3A_4 = tpu.memref_slice %arg2[%dma_start3A, %dma_start3A_3] : memref<4096x768xf32, #tpu.memory_space<hbm>> -> memref<4096x768xf32, #tpu.memory_space<hbm>>
    tpu.enqueue_indirect_dma source(%dma_start3A_4 : memref<4096x768xf32, #tpu.memory_space<hbm>>) target(%arg6 : memref<64x768xf32, #tpu.memory_space<vmem>>) offsets(%arg5 : memref<64xi32, #tpu.memory_space<vmem>>) semaphore(%arg7 : memref<!tpu.dma_semaphore, #tpu.memory_space<semaphore_mem>>)
    %dma_wait3A = arith.constant 0 : i32
    %dma_wait3A_5 = arith.constant 0 : i32
    %dma_wait3A_6 = tpu.memref_slice %arg2[%dma_wait3A, %dma_wait3A_5] : memref<4096x768xf32, #tpu.memory_space<hbm>> -> memref<4096x768xf32, #tpu.memory_space<hbm>>
    tpu.wait_indirect_dma semaphore(%arg7 : memref<!tpu.dma_semaphore, #tpu.memory_space<semaphore_mem>>) src(%dma_wait3A_6 : memref<4096x768xf32, #tpu.memory_space<hbm>>) dst(%arg6 : memref<64x768xf32, #tpu.memory_space<vmem>>)
    "tpu.region"() ({
      %run_scoped3A = tpu.sem_alloc : memref<!tpu.dma_semaphore, #tpu.memory_space<semaphore_mem>>
      %dma_start3A_7 = arith.constant 0 : i32
      %dma_start3A_8 = tpu.memref_slice %arg4[%mul3A_2, %dma_start3A_7] : memref<2048x768xf32, #tpu.memory_space<hbm>> -> memref<64x768xf32, #tpu.memory_space<hbm>>
      %dma_start3A_9 = arith.constant 0 : i32
      %dma_start3A_10 = tpu.memref_slice %arg4[%mul3A_2, %dma_start3A_9] : memref<2048x768xf32, #tpu.memory_space<hbm>> -> memref<64x768xf32, #tpu.memory_space<hbm>>
      tpu.enqueue_dma source(%arg6 : memref<64x768xf32, #tpu.memory_space<vmem>>) target(%dma_start3A_10 : memref<64x768xf32, #tpu.memory_space<hbm>>) target_semaphore(%run_scoped3A : memref<!tpu.dma_semaphore, #tpu.memory_space<semaphore_mem>>)
      %dma_wait3A_11 = arith.constant 0 : i32
      %dma_wait3A_12 = tpu.memref_slice %arg4[%mul3A_2, %dma_wait3A_11] : memref<2048x768xf32, #tpu.memory_space<hbm>> -> memref<64x768xf32, #tpu.memory_space<hbm>>
      %dma_wait3A_13 = arith.constant 0 : i32
      %dma_wait3A_14 = tpu.memref_slice %arg4[%mul3A_2, %dma_wait3A_13] : memref<2048x768xf32, #tpu.memory_space<hbm>> -> memref<64x768xf32, #tpu.memory_space<hbm>>
      tpu.wait_dma2 semaphore(%run_scoped3A : memref<!tpu.dma_semaphore, #tpu.memory_space<semaphore_mem>>) src(%arg6 : memref<64x768xf32, #tpu.memory_space<vmem>>) dst(%dma_wait3A_14 : memref<64x768xf32, #tpu.memory_space<hbm>>)
      tpu.yield
    }) : () -> ()
    return
  }
}

module attributes {stable_mosaic.version = 14 : i64} {
  func.func @_router_body(%arg0: memref<2048x768xf32, #tpu.memory_space<vmem>>, %arg1: memref<768x16xf32, #tpu.memory_space<vmem>>, %arg2: memref<2048x1xi32, #tpu.memory_space<vmem>>, %arg3: memref<2048x1xf32, #tpu.memory_space<vmem>>, %arg4: memref<2048x1xi32, #tpu.memory_space<vmem>>, %arg5: memref<1x16xi32, #tpu.memory_space<vmem>>) attributes {dimension_semantics = [], scalar_prefetch = 0 : i64, scratch_operands = 0 : i64, tpu.core_type = #tpu.core_type<tc>} {
    %get3A = arith.constant 0 : index
    %get3A_0 = arith.constant 0 : index
    %get3A_1 = vector.load %arg0[%get3A, %get3A_0] : memref<2048x768xf32, #tpu.memory_space<vmem>>, vector<2048x768xf32>
    %get3A_2 = arith.constant 0 : index
    %get3A_3 = arith.constant 0 : index
    %get3A_4 = vector.load %arg1[%get3A_2, %get3A_3] : memref<768x16xf32, #tpu.memory_space<vmem>>, vector<768x16xf32>
    %dot_general3A = arith.constant dense<0.000000e+00> : vector<2048x16xf32>
    %dot_general3A_5 = tpu.matmul %get3A_1, %get3A_4, %dot_general3A {dimension_numbers = #tpu.dot_dimension_numbers<[1], [0], [0], [1], [0, 0, 1, 1], [], []>, transpose_lhs_hint = false} : vector<2048x768xf32>, vector<768x16xf32>, vector<2048x16xf32> -> vector<2048x16xf32>
    %reduce_max3A = arith.constant dense<0xFF800000> : vector<2048xf32>
    %reduce_max3A_6 = vector.multi_reduction <maximumf>, %dot_general3A_5, %reduce_max3A [1] : vector<2048x16xf32> to vector<2048xf32>
    %max3A = arith.constant 0xFF800000 : f32
    %max3A_7 = vector.broadcast %max3A : f32 to vector<2048xf32>
    %max3A_8 = arith.maximumf %max3A_7, %reduce_max3A_6 : vector<2048xf32>
    %broadcast_in_dim3A = vector.shape_cast %max3A_8 : vector<2048xf32> to vector<2048x1xf32>
    %sub3A = vector.broadcast %broadcast_in_dim3A : vector<2048x1xf32> to vector<2048x16xf32>
    %sub3A_9 = arith.subf %dot_general3A_5, %sub3A : vector<2048x16xf32>
    %exp3A = math.exp %sub3A_9 : vector<2048x16xf32>
    %reduce_sum3A = arith.constant dense<0.000000e+00> : vector<2048xf32>
    %reduce_sum3A_10 = vector.multi_reduction <add>, %exp3A, %reduce_sum3A [1] : vector<2048x16xf32> to vector<2048xf32>
    %broadcast_in_dim3A_11 = vector.shape_cast %reduce_sum3A_10 : vector<2048xf32> to vector<2048x1xf32>
    %div3A = vector.broadcast %broadcast_in_dim3A_11 : vector<2048x1xf32> to vector<2048x16xf32>
    %div3A_12 = arith.divf %exp3A, %div3A : vector<2048x16xf32>
    %argmax3A = tpu.reduce_index %div3A_12 {axis = 1 : i32, kind = #tpu.reduction_kind<arg_max>} : vector<2048x16xf32> -> vector<2048xi32>
    %reduce_max3A_13 = arith.constant dense<0xFF800000> : vector<2048xf32>
    %reduce_max3A_14 = vector.multi_reduction <maximumf>, %div3A_12, %reduce_max3A_13 [1] : vector<2048x16xf32> to vector<2048xf32>
    %iota3A = tpu.iota {dimensions = array<i32: 1>} : vector<2048x16xi32>
    %broadcast_in_dim3A_15 = vector.shape_cast %argmax3A : vector<2048xi32> to vector<2048x1xi32>
    %eq3A = vector.broadcast %broadcast_in_dim3A_15 : vector<2048x1xi32> to vector<2048x16xi32>
    %eq3A_16 = arith.cmpi eq, %iota3A, %eq3A : vector<2048x16xi32>
    %jit3A = arith.constant 1.000000e+00 : f32
    %jit3A_17 = arith.constant 0.000000e+00 : f32
    %broadcast_in_dim3A_18 = vector.broadcast %jit3A : f32 to vector<2048x16xf32>
    %broadcast_in_dim3A_19 = vector.broadcast %jit3A_17 : f32 to vector<2048x16xf32>
    %select_n3A = arith.select %eq3A_16, %broadcast_in_dim3A_18, %broadcast_in_dim3A_19 : vector<2048x16xi1>, vector<2048x16xf32>
    %iota3A_20 = tpu.iota {dimensions = array<i32: 0>} : vector<2048x2048xi32>
    %iota3A_21 = tpu.iota {dimensions = array<i32: 1>} : vector<2048x2048xi32>
    %gt3A = arith.cmpi sgt, %iota3A_20, %iota3A_21 : vector<2048x2048xi32>
    %jit3A_22 = arith.constant 1.000000e+00 : f32
    %jit3A_23 = arith.constant 0.000000e+00 : f32
    %broadcast_in_dim3A_24 = vector.broadcast %jit3A_22 : f32 to vector<2048x2048xf32>
    %broadcast_in_dim3A_25 = vector.broadcast %jit3A_23 : f32 to vector<2048x2048xf32>
    %select_n3A_26 = arith.select %gt3A, %broadcast_in_dim3A_24, %broadcast_in_dim3A_25 : vector<2048x2048xi1>, vector<2048x2048xf32>
    %dot_general3A_27 = arith.constant dense<0.000000e+00> : vector<2048x16xf32>
    %dot_general3A_28 = tpu.matmul %select_n3A_26, %select_n3A, %dot_general3A_27 {dimension_numbers = #tpu.dot_dimension_numbers<[1], [0], [0], [1], [0, 0, 1, 1], [], []>, transpose_lhs_hint = false} : vector<2048x2048xf32>, vector<2048x16xf32>, vector<2048x16xf32> -> vector<2048x16xf32>
    %mul3A = arith.mulf %dot_general3A_28, %select_n3A : vector<2048x16xf32>
    %reduce_sum3A_29 = arith.constant dense<0.000000e+00> : vector<2048xf32>
    %reduce_sum3A_30 = vector.multi_reduction <add>, %mul3A, %reduce_sum3A_29 [1] : vector<2048x16xf32> to vector<2048xf32>
    %broadcast_in_dim3A_31 = vector.shape_cast %argmax3A : vector<2048xi32> to vector<2048x1xi32>
    %swap3A = arith.constant 0 : index
    %swap3A_32 = arith.constant 0 : index
    %swap3A_33 = vector.load %arg2[%swap3A, %swap3A_32] : memref<2048x1xi32, #tpu.memory_space<vmem>>, vector<2048x1xi32>
    tpu.vector_store %arg2[%swap3A, %swap3A_32], %broadcast_in_dim3A_31 {strides = array<i32>} : memref<2048x1xi32, #tpu.memory_space<vmem>>, vector<2048x1xi32>,
    %broadcast_in_dim3A_34 = vector.shape_cast %reduce_max3A_14 : vector<2048xf32> to vector<2048x1xf32>
    %swap3A_35 = arith.constant 0 : index
    %swap3A_36 = arith.constant 0 : index
    %swap3A_37 = vector.load %arg3[%swap3A_35, %swap3A_36] : memref<2048x1xf32, #tpu.memory_space<vmem>>, vector<2048x1xf32>
    tpu.vector_store %arg3[%swap3A_35, %swap3A_36], %broadcast_in_dim3A_34 {strides = array<i32>} : memref<2048x1xf32, #tpu.memory_space<vmem>>, vector<2048x1xf32>,
    %broadcast_in_dim3A_38 = vector.shape_cast %reduce_sum3A_30 : vector<2048xf32> to vector<2048x1xf32>
    %convert_element_type3A = arith.fptosi %broadcast_in_dim3A_38 : vector<2048x1xf32> to vector<2048x1xi32>
    %swap3A_39 = arith.constant 0 : index
    %swap3A_40 = arith.constant 0 : index
    %swap3A_41 = vector.load %arg4[%swap3A_39, %swap3A_40] : memref<2048x1xi32, #tpu.memory_space<vmem>>, vector<2048x1xi32>
    tpu.vector_store %arg4[%swap3A_39, %swap3A_40], %convert_element_type3A {strides = array<i32>} : memref<2048x1xi32, #tpu.memory_space<vmem>>, vector<2048x1xi32>,
    %reduce_sum3A_42 = arith.constant dense<0.000000e+00> : vector<16xf32>
    %reduce_sum3A_43 = vector.multi_reduction <add>, %select_n3A, %reduce_sum3A_42 [0] : vector<2048x16xf32> to vector<16xf32>
    %broadcast_in_dim3A_44 = vector.shape_cast %reduce_sum3A_43 : vector<16xf32> to vector<1x16xf32>
    %convert_element_type3A_45 = arith.fptosi %broadcast_in_dim3A_44 : vector<1x16xf32> to vector<1x16xi32>
    %swap3A_46 = arith.constant 0 : index
    %swap3A_47 = arith.constant 0 : index
    %swap3A_48 = vector.load %arg5[%swap3A_46, %swap3A_47] : memref<1x16xi32, #tpu.memory_space<vmem>>, vector<1x16xi32>
    tpu.vector_store %arg5[%swap3A_46, %swap3A_47], %convert_element_type3A_45 {strides = array<i32>} : memref<1x16xi32, #tpu.memory_space<vmem>>, vector<1x16xi32>,
    return
  }
}

module attributes {stable_mosaic.version = 14 : i64} {
  func.func @_mlp_body(%arg0: i32, %arg1: memref<32xi32, #tpu.memory_space<smem>>, %arg2: memref<128x768xf32, #tpu.memory_space<vmem>>, %arg3: memref<128x1xf32, #tpu.memory_space<vmem>>, %arg4: memref<1x768x3072xf32, #tpu.memory_space<vmem>>, %arg5: memref<1x768x3072xf32, #tpu.memory_space<vmem>>, %arg6: memref<1x3072x768xf32, #tpu.memory_space<vmem>>, %arg7: memref<128x768xf32, #tpu.memory_space<vmem>>) attributes {dimension_semantics = [#tpu.dimension_semantics<arbitrary>], iteration_bounds = array<i64: 32>, scalar_prefetch = 1 : i64, scratch_operands = 0 : i64, tpu.core_type = #tpu.core_type<tc>, window_params = [{transform_indices = @transform_0, window_bounds = array<i64: 128, 768>}, {transform_indices = @transform_1, window_bounds = array<i64: 128, 1>}, {transform_indices = @transform_2, window_bounds = array<i64: 1, 768, 3072>}, {transform_indices = @transform_3, window_bounds = array<i64: 1, 768, 3072>}, {transform_indices = @transform_4, window_bounds = array<i64: 1, 3072, 768>}, {transform_indices = @transform_5, window_bounds = array<i64: 128, 768>}]} {
    %get3A = arith.constant 0 : index
    %get3A_0 = arith.constant 0 : index
    %get3A_1 = vector.load %arg2[%get3A, %get3A_0] : memref<128x768xf32, #tpu.memory_space<vmem>>, vector<128x768xf32>
    %get3A_2 = arith.constant 0 : index
    %get3A_3 = arith.constant 0 : index
    %get3A_4 = arith.constant 0 : index
    %get3A_5 = vector.load %arg4[%get3A_2, %get3A_3, %get3A_4] : memref<1x768x3072xf32, #tpu.memory_space<vmem>>, vector<1x768x3072xf32>
    %get3A_6 = vector.shape_cast %get3A_5 : vector<1x768x3072xf32> to vector<768x3072xf32>
    %dot_general3A = arith.constant dense<0.000000e+00> : vector<128x3072xf32>
    %dot_general3A_7 = tpu.matmul %get3A_1, %get3A_6, %dot_general3A {dimension_numbers = #tpu.dot_dimension_numbers<[1], [0], [0], [1], [0, 0, 1, 1], [], []>, transpose_lhs_hint = false} : vector<128x768xf32>, vector<768x3072xf32>, vector<128x3072xf32> -> vector<128x3072xf32>
    %logistic3A = arith.negf %dot_general3A_7 : vector<128x3072xf32>
    %logistic3A_8 = math.exp %logistic3A : vector<128x3072xf32>
    %logistic3A_9 = arith.constant 1.000000e+00 : f32
    %logistic3A_10 = vector.broadcast %logistic3A_9 : f32 to vector<128x3072xf32>
    %logistic3A_11 = arith.addf %logistic3A_10, %logistic3A_8 : vector<128x3072xf32>
    %logistic3A_12 = arith.divf %logistic3A_10, %logistic3A_11 : vector<128x3072xf32>
    %mul3A = arith.mulf %dot_general3A_7, %logistic3A_12 : vector<128x3072xf32>
    %get3A_13 = arith.constant 0 : index
    %get3A_14 = arith.constant 0 : index
    %get3A_15 = arith.constant 0 : index
    %get3A_16 = vector.load %arg5[%get3A_13, %get3A_14, %get3A_15] : memref<1x768x3072xf32, #tpu.memory_space<vmem>>, vector<1x768x3072xf32>
    %get3A_17 = vector.shape_cast %get3A_16 : vector<1x768x3072xf32> to vector<768x3072xf32>
    %dot_general3A_18 = arith.constant dense<0.000000e+00> : vector<128x3072xf32>
    %dot_general3A_19 = tpu.matmul %get3A_1, %get3A_17, %dot_general3A_18 {dimension_numbers = #tpu.dot_dimension_numbers<[1], [0], [0], [1], [0, 0, 1, 1], [], []>, transpose_lhs_hint = false} : vector<128x768xf32>, vector<768x3072xf32>, vector<128x3072xf32> -> vector<128x3072xf32>
    %mul3A_20 = arith.mulf %mul3A, %dot_general3A_19 : vector<128x3072xf32>
    %get3A_21 = arith.constant 0 : index
    %get3A_22 = arith.constant 0 : index
    %get3A_23 = arith.constant 0 : index
    %get3A_24 = vector.load %arg6[%get3A_21, %get3A_22, %get3A_23] : memref<1x3072x768xf32, #tpu.memory_space<vmem>>, vector<1x3072x768xf32>
    %get3A_25 = vector.shape_cast %get3A_24 : vector<1x3072x768xf32> to vector<3072x768xf32>
    %dot_general3A_26 = arith.constant dense<0.000000e+00> : vector<128x768xf32>
    %dot_general3A_27 = tpu.matmul %mul3A_20, %get3A_25, %dot_general3A_26 {dimension_numbers = #tpu.dot_dimension_numbers<[1], [0], [0], [1], [0, 0, 1, 1], [], []>, transpose_lhs_hint = false} : vector<128x3072xf32>, vector<3072x768xf32>, vector<128x768xf32> -> vector<128x768xf32>
    %get3A_28 = arith.constant 0 : index
    %get3A_29 = arith.constant 0 : index
    %get3A_30 = vector.load %arg3[%get3A_28, %get3A_29] : memref<128x1xf32, #tpu.memory_space<vmem>>, vector<128x1xf32>
    %mul3A_31 = vector.broadcast %get3A_30 : vector<128x1xf32> to vector<128x768xf32>
    %mul3A_32 = arith.mulf %mul3A_31, %dot_general3A_27 : vector<128x768xf32>
    %swap3A = arith.constant 0 : index
    %swap3A_33 = arith.constant 0 : index
    %swap3A_34 = vector.load %arg7[%swap3A, %swap3A_33] : memref<128x768xf32, #tpu.memory_space<vmem>>, vector<128x768xf32>
    tpu.vector_store %arg7[%swap3A, %swap3A_33], %mul3A_32 {strides = array<i32>} : memref<128x768xf32, #tpu.memory_space<vmem>>, vector<128x768xf32>,
    return
  }
  func.func @transform_0(%arg0: i32, %arg1: memref<32xi32, #tpu.memory_space<smem>>) -> (i32, i32) {
    %c0_i32 = arith.constant 0 : i32
    %c0_i32_0 = arith.constant 0 : i32
    return %arg0, %c0_i32 : i32, i32
  }
  func.func @transform_1(%arg0: i32, %arg1: memref<32xi32, #tpu.memory_space<smem>>) -> (i32, i32) {
    %c0_i32 = arith.constant 0 : i32
    %c0_i32_0 = arith.constant 0 : i32
    return %arg0, %c0_i32 : i32, i32
  }
  func.func @transform_2(%arg0: i32, %arg1: memref<32xi32, #tpu.memory_space<smem>>) -> (i32, i32, i32) {
    %get3A = arith.index_cast %arg0 : i32 to index
    %get3A_0 = memref.load %arg1[%get3A] : memref<32xi32, #tpu.memory_space<smem>>
    %c0_i32 = arith.constant 0 : i32
    %c0_i32_1 = arith.constant 0 : i32
    %c0_i32_2 = arith.constant 0 : i32
    return %get3A_0, %c0_i32, %c0_i32_1 : i32, i32, i32
  }
  func.func @transform_3(%arg0: i32, %arg1: memref<32xi32, #tpu.memory_space<smem>>) -> (i32, i32, i32) {
    %get3A = arith.index_cast %arg0 : i32 to index
    %get3A_0 = memref.load %arg1[%get3A] : memref<32xi32, #tpu.memory_space<smem>>
    %c0_i32 = arith.constant 0 : i32
    %c0_i32_1 = arith.constant 0 : i32
    %c0_i32_2 = arith.constant 0 : i32
    return %get3A_0, %c0_i32, %c0_i32_1 : i32, i32, i32
  }
  func.func @transform_4(%arg0: i32, %arg1: memref<32xi32, #tpu.memory_space<smem>>) -> (i32, i32, i32) {
    %get3A = arith.index_cast %arg0 : i32 to index
    %get3A_0 = memref.load %arg1[%get3A] : memref<32xi32, #tpu.memory_space<smem>>
    %c0_i32 = arith.constant 0 : i32
    %c0_i32_1 = arith.constant 0 : i32
    %c0_i32_2 = arith.constant 0 : i32
    return %get3A_0, %c0_i32, %c0_i32_1 : i32, i32, i32
  }
  func.func @transform_5(%arg0: i32, %arg1: memref<32xi32, #tpu.memory_space<smem>>) -> (i32, i32) {
    %c0_i32 = arith.constant 0 : i32
    %c0_i32_0 = arith.constant 0 : i32
    return %arg0, %c0_i32 : i32, i32
  }
}

</mosaic_0001>

<sc_bundles>
// kernel: kernel.6.cloned.1.call-start
scs
__scs_entry_jumppad:
0x0: {  	(pc) =	sbr.rel $0x88, $3  }
0x1: {  	(tag) =	ssettag $0x0;
	lr =	simm.s32 $0x1  }
0x2: {  	[smem:$0x3F9C] =	sst lr;
	_ =	strace $0xD0000000  }
0x3: {  	_ = 	snop  }
0x4: {  	_ = 	snop  }
0x5: {  	_ = 	snop  }
0x6: {  	_ = 	snop  }
0x7: {  	_ = 	snop  }
__scs_overlays_trampoline_lowered:
0x8: {  	[smem:$0x3FAB] =	sst s0  }
0x9: {  	[smem:$0x3FAC] =	sst s1  }
0xa: {  	[smem:$0x3FAD] =	sst s2  }
0xb: {  	[smem:$0x3FAE] =	sst s3  }
0xc: {  	[smem:$0x3FAF] =	sst s4  }
0xd: {  	[smem:$0x3FB0] =	sst s5  }
0xe: {  	[smem:$0x3FB1] =	sst s6  }
0xf: {  	[smem:$0x3FB2] =	sst s7  }
0x10: {  	[smem:$0x3FB3] =	sst s8  }
0x11: {  	[smem:$0x3FB4] =	sst s9;
	s0 =	simm.s32 @!p0 $0x0  }
0x12: {  	s1 =	sld [smem:$0x3F9A];
	s0 =	simm.s32 @p0 $0x1  }
0x13: {  	[smem:$0x3FB5] =	sst s0;
	s0 =	simm.s32 @!p1 $0x0  }
0x14: {  	s2 =	sld [smem:$0x3F99];
	s0 =	simm.s32 @p1 $0x1  }
0x15: {  	[smem:$0x3FB6] =	sst s0;
	s0 =	simm.s32 @!p2 $0x0  }
0x16: {  	s3 =	sld [smem:$0x3FDB];
	s0 =	simm.s32 @p2 $0x1  }
0x17: {  	s4 =	simm.s32 $0x1BF5;
	[smem:$0x3FB8] =	sst s0  }
0x18: {  	s0 =	sld [smem:$0x3F9B];
	_ =	swait.ge [sflag:s4], $0x0  }
0x19: {  	s7 =	sld [smem:$0x3F9C]  }
0x1a: {  	s8 =	sadd.s32 $0xFFFFE003, lr  }
0x1b: {  	s9 =	sadd.s32 $0xFFFFFEF7, lr;
	s5 =	simm.s32 $0xFFFFFFFF;
	p2 =	slt.u32 s8, $0xFFFFF086  }
0x1c: {  	p1 =	slt.u32 s9, $0xF7A;
	s5 =	simm.s32 @!p2 $0x0  }
0x1d: {  	s5 =	simm.s32 @p1 $0x1;
	p0 =	seq.s32 s7, s2  }
0x1e: {  	s7 =	smul.u32 @!p0 $0xF7A, s2;
	p2 =	seq.s32 @!p0 s5, $0x0  }
0x1f: {  	s9 =	smul.u32 $0xF7A, s1;
	s8 =	simm.s32 @!p0 $0x1BF5;
	p2 =	por !p2, p0  }
0x20: {  	[sflag:s8] =	ssyncset.s32 @!p0 $0xFFFFF086;
	s6 =	sadd.s32 @!p0 s3, s7;
	s7 =	simm.s32 @!p0 $0x108  }
0x21: {  	s3 =	sadd.s32 s3, s9;
	s6 =	sadd.s32 @!p0 $0x88, s6;
	s7 =	simm.s32 @p2 $0x1082  }
0x22: {  	[simem:s7], [sflag:s8] =	dma.local @!p0 [hbm:s6], $0xF7A  }
0x23: {  	s9 =	sor.u32 $0xD0000000, s2;
	s6 =	simm.s32 $0x108;
	_ =	swait.ge @!p0 [sflag:s8], $0x0  }
0x24: {  	s3 =	sadd.s32 $0x88, s3;
	s6 =	simm.s32 @!p1 $0x1082;
	[sflag:s4] =	ssyncset.s32 $0xFFFFF086  }
0x25: {  	[simem:s6], [sflag:s4] =	dma.local [hbm:s3], $0xF7A  }
0x26: {  	[smem:$0x3F9C] =	sst s1;
	(tag) =	ssettag s2;
	_ =	strace s9  }
0x27: {  	s1 =	sld [smem:$0x3FAC]  }
0x28: {  	s2 =	sld [smem:$0x3FAD]  }
0x29: {  	s4 =	sld [smem:$0x3FAF]  }
0x2a: {  	p0 =	seq.s32 s5, $0x0;
	s5 =	sld [smem:$0x3FB0]  }
0x2b: {  	s6 =	sld [smem:$0x3FB1]  }
0x2c: {  	s7 =	sld [smem:$0x3FB2]  }
0x2d: {  	s3 =	simm.s32 $0x108;
	s8 =	sld [smem:$0x3FB3]  }
0x2e: {  	s3 =	simm.s32 @!p0 $0x1082;
	s9 =	sld [smem:$0x3FB4]  }
0x2f: {  	lr =	sadd.s32 s0, s3;
	s0 =	sld [smem:$0x3FAB]  }
0x30: {  	s3 =	sld [smem:$0x3FAE]  }
0x31: {  	[smem:$0x3FB7] =	sst s10  }
0x32: {  	s10 =	sld [smem:$0x3FB5];
	_ =	sdelay $0x3  }
0x33: {  	p0 =	seq.s32 s10, $0x1;
	s10 =	sld [smem:$0x3FB7];
	_ =	sdelay $0x3  }
0x34: {  	[smem:$0x3FB7] =	sst s10  }
0x35: {  	s10 =	sld [smem:$0x3FB6];
	_ =	sdelay $0x3  }
0x36: {  	p1 =	seq.s32 s10, $0x1;
	s10 =	sld [smem:$0x3FB7];
	_ =	sdelay $0x3  }
0x37: {  	[smem:$0x3FB7] =	sst s10  }
0x38: {  	s10 =	sld [smem:$0x3FB8]  }
0x39: {  	_ = 	snop;
	(pc) =	sbr.ind lr, $3  }
0x3a: {  	_ = 	snop  }
0x3b: {  	_ = 	snop  }
0x3c: {  	p2 =	seq.s32 s10, $0x1;
	s10 =	sld [smem:$0x3FB7]  }
0x3d: {  	_ =	shalt  }
0x3e: {  	_ =	shalt  }
0x3f: {  	_ =	shalt  }
0x40: {  	_ =	shalt  }
0x41: {  	_ =	shalt  }
0x42: {  	_ =	shalt  }
0x43: {  	_ =	shalt  }
0x44: {  	_ =	shalt  }
0x45: {  	_ =	shalt  }
0x46: {  	_ =	shalt  }
0x47: {  	_ =	shalt  }
0x48: {  	_ =	shalt  }
0x49: {  	_ =	shalt  }
0x4a: {  	_ =	shalt  }
0x4b: {  	_ =	shalt  }
0x4c: {  	_ =	shalt  }
0x4d: {  	_ =	shalt  }
0x4e: {  	_ =	shalt  }
0x4f: {  	_ =	shalt  }
0x50: {  	_ =	shalt  }
0x51: {  	_ =	shalt  }
0x52: {  	_ =	shalt  }
0x53: {  	_ =	shalt  }
0x54: {  	_ =	shalt  }
0x55: {  	_ =	shalt  }
0x56: {  	_ =	shalt  }
0x57: {  	_ =	shalt  }
0x58: {  	_ =	shalt  }
0x59: {  	_ =	shalt  }
0x5a: {  	_ =	shalt  }
0x5b: {  	_ =	shalt  }
0x5c: {  	_ =	shalt  }
0x5d: {  	_ =	shalt  }
0x5e: {  	_ =	shalt  }
0x5f: {  	_ =	shalt  }
0x60: {  	_ =	shalt  }
0x61: {  	_ =	shalt  }
0x62: {  	_ =	shalt  }
0x63: {  	_ =	shalt  }
0x64: {  	_ =	shalt  }
0x65: {  	_ =	shalt  }
0x66: {  	_ =	shalt  }
0x67: {  	_ =	shalt  }
0x68: {  	_ =	shalt  }
0x69: {  	_ =	shalt  }
0x6a: {  	_ =	shalt  }
0x6b: {  	_ =	shalt  }
0x6c: {  	_ =	shalt  }
0x6d: {  	_ =	shalt  }
0x6e: {  	_ =	shalt  }
0x6f: {  	_ =	shalt  }
0x70: {  	_ =	shalt  }
0x71: {  	_ =	shalt  }
0x72: {  	_ =	shalt  }
0x73: {  	_ =	shalt  }
0x74: {  	_ =	shalt  }
0x75: {  	_ =	shalt  }
0x76: {  	_ =	shalt  }
0x77: {  	_ =	shalt  }
0x78: {  	_ =	shalt  }
0x79: {  	_ =	shalt  }
0x7a: {  	_ =	shalt  }
0x7b: {  	_ =	shalt  }
0x7c: {  	_ =	shalt  }
0x7d: {  	_ =	shalt  }
0x7e: {  	_ =	shalt  }
0x7f: {  	_ =	shalt  }
0x80: {  	_ =	shalt  }
0x81: {  	_ =	shalt  }
0x82: {  	_ =	shalt  }
0x83: {  	_ =	shalt  }
0x84: {  	_ =	shalt  }
0x85: {  	_ =	shalt  }
0x86: {  	_ =	shalt  }
0x87: {  	_ =	shalt  }
.Lfunc_end0:
.L_simem_size_0:
called_computation_lowered:
.L_overlay_start_0:
0x88: {  	s2 =	sld [smem:$0x3FD9]  }
0x89: {  	s3 =	sld [smem:$0x3FFE];
	_ =	sdelay $0x1  }
0x8a: {  	s1 =	srdreg.scid  }
0x8b: {  	s0 =	sand.u32 $0x1, s1  }
0x8c: {  	s17 =	sshll.u32 s0, $0xA;
	s2 =	sadd.s32 s3, s2  }
0x8d: {  	s2 =	sadd.s32 s2, s17  }
0x8e: {  	[smem:$0x3FC3] =	sst s2  }
0x8f: {  	_ = 	snop  }
0x90: {  	s2 =	sld [smem:$0x3FC9]  }
0x91: {  	s18 =	sld [smem:$0x3FD0];
	(tm) =	ssettm $0x1  }
0x92: {  	s4 =	sld [smem:$0x3FFB];
	_ =	sdelay $0x3  }
0x93: {  	_ =	strace s4  }
0x94: {  	s4 =	sld [smem:$0x3FFC];
	_ =	sdelay $0x3  }
0x95: {  	_ =	strace s4  }
0x96: {  	s4 =	sld [smem:$0x3FFD];
	_ =	sdelay $0x3  }
0x97: {  	_ =	strace s4  }
0x98: {  	_ =	strace $0x8FFFFFFF  }
0x99: {  	s19 =	sld [smem:$0x3FDB];
	_ =	sdelay $0x1  }
0x9a: {  	s5 =	simm.s32 $_scs_section_size  }
0x9b: {  	s6 =	simm.s32 $_size__tile_overlayer_lowered;
	s7 =	simm.s32 $_tile_overlayer_lowered  }
0x9c: {  	s22 =	simm.s32 $0x1BFF;
	s21 =	sshll.u32 s7, $0x1;
	s4 =	sadd.s32 s5, s19  }
0x9d: {  	s8 =	simm.s32 $0x0;
	s20 =	sshll.u32 s6, $0x1;
	s6 =	sadd.s32 s21, s4  }
0x9e: {  	[timem:s8], [sflag:s22] =	dma.local [hbm:s6], s20  }
0x9f: {  	_ =	swait.ge [sflag:s22], s20  }
0xa0: {  	s5 =	ssub.s32 $0x0, s20;
	[sflag:s22] =	ssyncset.done $0x0  }
0xa1: {  	[sflag:s22] =	ssyncadd.s32 s5;
	_ =	sdelay $0x1  }
0xa2: {  	s23 =	simm.s32 $0x1B8B  }
0xa3: {  	_ =	swait.ge [sflag:s23], $0x1  }
0xa4: {  	[sflag:s23] =	ssyncset.done $0x0  }
0xa5: {  	s25 =	simm.s32 $0x1B8E;
	s24 =	sld [smem:$0x3FFE];
	[sflag:s23] =	ssyncadd.s32 $0xFFFFFFFF  }
0xa6: {  	s26 =	simm.s32 $execute0_lowered;
	[smem:$0x3FD2] =	sst s25  }
0xa7: {  	s6 =	sshll.u32 s26, $0x1;
	_ =	strace $0x80000046;
	[dreg:$0x1] =	wrdreg $0xFFFFFFFF  }
0xa8: {  	s28 =	simm.s32 $_size_execute0_lowered;
	s4 =	sadd.s32 s4, s6;
	[dreg:$0x0] =	wrdreg $0x0  }
0xa9: {  	s6 =	sshll.u32 s28, $0x1;
	[dreg:$0x2] =	wrdreg s4  }
0xaa: {  	[dreg:$0x3] =	wrdreg s6  }
0xab: {  	[dreg:$0x4] =	wrdreg $0xC0  }
0xac: {  	_ =	task [dreg:s8], $0x5FFFF  }
0xad: {  	[dreg:$0x1] =	wrdreg $0xFFFFFFFF  }
0xae: {  	[dreg:$0x0] =	wrdreg $0x60  }
0xaf: {  	[dreg:$0x2] =	wrdreg s18  }
0xb0: {  	[dreg:$0x3] =	wrdreg s24  }
0xb1: {  	[dreg:$0x4] =	wrdreg s2  }
0xb2: {  	[dreg:$0x5] =	wrdreg $0x41800  }
0xb3: {  	[dreg:$0x6] =	wrdreg $0x9  }
0xb4: {  	_ =	task.clear_ibuf [dreg:s8], $0x7FFFF;
	_ =	strace $0x90000046  }
0xb5: {  	s29 =	simm.s32 $0x9;
	_ =	strace $0x80000048  }
0xb6: {  	_ =	swait.ge [sflag:s29], $0x1  }
0xb7: {  	[sflag:s29] =	ssyncadd.s32 $0xFFFFFFFF  }
0xb8: {  	_ =	strace $0x90000048  }
0xb9: {  	_ =	sfence  }
0xba: {  	s30 =	sld [smem:$0x0];
	_ =	sdelay $0x2  }
0xbb: {  	s31 =	sshll.u32 s1, $0xD;
	s1 =	sshrl.u32 s1, $0x2  }
0xbc: {  	s3 =	sand.u32 $0x4000, s31;
	s1 =	sadd.s32 s1, s30  }
0xbd: {  	s0 =	sor.u32 s3, s0;
	s1 =	sshll.u32 s1, $0x11  }
0xbe: {  	s0 =	sor.u32 s1, s0  }
0xbf: {  	s0 =	sadd.s32 $0x8F2B, s0  }
0xc0: {  	[sflag:s0] =	ssyncadd.remote.s32 $0x1  }
0xc1: {  	_ =	sfence.sel $0xFFFF  }
0xc2: {  	[dreg:$0x0] =	wrdreg $0xFFFFFFFF;
	(pc) =	sbr.abs _section_cstart, $3  }
0xc3: {  	[dreg:$0x1] =	wrdreg $0xFFFFFFFF  }
0xc4: {  	_ =	task.clear_ibuf [dreg:s8], $0x2FFFF;
	_ =	strace $0x9FFFFFFF  }
0xc5: {  	(tm) =	ssettm $0x7FFFFFFF  }
tec
execute0_lowered:
.L_overlay_start_1:
0x0: {  	(tag) =	ssettag $0x1  }
0x1: {  	s0 =	rddreg [dreg:$0x1]  }
0x2: {  	s2 =	rddreg [dreg:$0x2]  }
0x3: {  	s8 =	rddreg [dreg:$0x3];
	s1 =	srdreg.scid  }
0x4: {  	s3 =	stileid.u32;
	s4 =	simm.s32 $0x0;
	s16 =	simm.s32 $0x2  }
0x5: {  	s10 =	simm.s32 $0x16B00;
	s28 =	simm.s32 $0x18B00;
	s29 =	simm.s32 $0x19300  }
0x6: {  	s30 =	simm.s32 $0x19B00;
	s31 =	simm.s32 $0x1A300;
	s17 =	simm.s32 $0x1BB00  }
0x7: {  	s18 =	simm.s32 $0x1;
	s19 =	simm.s32 $0x0;
	s1 =	sand.u32 $0x1, s1  }
0x8: {  	s5 =	sshll.u32 s3, $0x8;
	[smem:$0x7FF] =	sst s4;
	s20 =	sadd.s32 $0x400, s0  }
0x9: {  	s7 =	sadd.s32 $0x600, s0;
	_ =	strace $0x80000047;
	[dreg:$0x5] =	wrdreg s20  }
0xa: {  	s22 =	sadd.s32 $0x200, s0;
	s23 =	sadd.s32 $0x60C00, s0;
	[dreg:$0x6] =	wrdreg s7  }
0xb: {  	s24 =	sadd.s32 $0x800, s0;
	s9 =	sadd.s32 $0xA00, s0;
	[dreg:$0x7] =	wrdreg s22  }
0xc: {  	s12 =	sadd.s32 $0x100, s2;
	s13 =	sadd.s32 $0x200, s2;
	[dreg:$0x8] =	wrdreg s23  }
0xd: {  	p0 =	sne.s32 s3, $0x0;
	s3 =	simm.s32 $0x4280;
	[dreg:$0x9] =	wrdreg s24  }
0xe: {  	v0 =	vlaneseq.u32;
	s6 =	sshll.u32 s1, $0x7;
	s25 =	ssub.s32 $0x2, s1;
	[dreg:$0xa] =	wrdreg s9  }
0xf: {  	vm0 =	vmmov $0x1;
	v3 =	vimm.s32 $0x0;
	vm3 =	vcmask $0xB10;
	s20 =	simm.s32 $0x1880;
	s22 =	simm.s32 $0x3100;
	s5 =	sor.u32 s6, s5  }
0x10: {  	vm4 =	vcmask $0xF14;
	vm5 =	vcmask $0x1318;
	vm6 =	vcmask $0x171C;
	p1 =	sne.s32 s1, $0x0;
	s24 =	simm.s32 $0x4300;
	s21 =	sshrl.u32 s5, $0x3  }
0x11: {  	vm7 =	vcmask $0x1B20;
	vm8 =	vcmask $0x1F24;
	vm9 =	vcmask $0x2328;
	s7 =	simm.s32 $0x5B00;
	s23 =	simm.s32 $0x17300;
	s6 =	smul.u32 $0x300, s21  }
.Ltmp0:
0x12: {  	vm10 =	vcmask $0x272C;
	vm11 =	vcmask $0x2B30;
	vm12 =	vcmask $0x2F34;
	s1 =	simm.s32 $0x1B300;
	s26 =	sshrl.u32 s25, $0x1;
	(pc) =	sbr.rel .LBB2_1-.Ltmp0, $4  }
0x13: {  	vm13 =	vcmask $0x3338;
	vm14 =	vcmask $0x373C;
	vm15 =	vmmov $0x7fff;
	s11 =	sadd.s32 s5, s8;
	s5 =	simm.s32 $0x4B00;
	s8 =	simm.s32 $0x6300  }
0x14: {  	v5 =	vimm.f32 $0.0e+00;
	vm1 =	vmmov $0xffff;
	v1 =	vor.u32 $0x80000000, v0;
	s21 =	simm.s32 $0x2100;
	s0 =	sadd.s32 s6, s0;
	s6 =	ssub.s32 s25, s26  }
0x15: {  	v2 =	vadd.s32 $0x1, v0;
	v4 =	vadd.s32 $0x11, v0;
	v7 =	vshrl.u32 v0, $0x3;
	s25 =	simm.s32 $0x17B00;
	s26 =	simm.s32 $0x18300;
	s14 =	sadd.s32 $0xC00, s0  }
0x16: {  	v6 =	vand.u32 $0x7, v0;
	v8 =	vor.u32 $0x8, v0;
	v7 =	vmul.u32 $0x8, v7;
	s15 =	smax.u32 s6, $0x1;
	s6 =	simm.s32 $0x5300;
	s0 =	simm.s32 $0x1AB00  }
.LBB2_6:
0x17: {  	s3 =	rddreg [dreg:$0x3]  }
0x18: {  	[spmem:s3] =	stream.linear.scatter [tilespmem:s21], [sflag:$0x2], $0x1000, $0x38;
	[tilespmem:$0x1C300] =	vst v63  }
0x19: {  	_ =	swait.ge [sflag:s16], $0x1000  }
0x1a: {  	s5 =	simm.s32 @!p1 $0x1900;
	[sflag:s16] =	ssyncset.done $0x0  }
0x1b: {  	s3 =	simm.s32 @!p1 $0x0;
	s6 =	rddreg [dreg:$0x8];
	[sflag:s16] =	ssyncadd.s32 $0xFFFFF000  }
0x1c: {  	[hbm4b:s6+s3] =	stream.linear.scatter @!p1 [tilespmem:s5], [sflag:$0x2], $0x800, $0x38;
	[tilespmem:$0x1C300] =	vst v63  }
0x1d: {  	s5 =	simm.s32 @!p1 $0x2  }
0x1e: {  	_ =	swait.ge @!p1 [sflag:s5], $0x800  }
0x1f: {  	[sflag:s5] =	ssyncset.done @!p1 $0x0  }
0x20: {  	s6 =	simm.s32 @!p1 $0x3100;
	s7 =	rddreg [dreg:$0x9];
	[sflag:s5] =	ssyncadd.s32 @!p1 $0xFFFFF800  }
0x21: {  	[hbm4b:s7+s3] =	stream.linear.scatter @!p1 [tilespmem:s6], [sflag:$0x2], $0x1000, $0x38;
	[tilespmem:$0x1C300] =	vst v63  }
0x22: {  	_ =	swait.ge @!p1 [sflag:s5], $0x1000  }
0x23: {  	[sflag:s5] =	ssyncset.done @!p1 $0x0  }
0x24: {  	s6 =	simm.s32 @!p1 $0x4100;
	s7 =	rddreg [dreg:$0xa];
	[sflag:s5] =	ssyncadd.s32 @!p1 $0xFFFFF000  }
0x25: {  	[hbm4b:s7+s3] =	stream.linear.scatter @!p1 [tilespmem:s6], [sflag:$0x2], $0x80, $0x38;
	[tilespmem:$0x1C300] =	vst v63  }
0x26: {  	s8 =	simm.s32 $0x6300;
	_ =	swait.ge @!p1 [sflag:s5], $0x80  }
0x27: {  	s3 =	simm.s32 $0x4280;
	s6 =	simm.s32 $0x5300;
	[sflag:s5] =	ssyncset.done @!p1 $0x0  }
0x28: {  	s7 =	simm.s32 $0x5B00;
	[sflag:s5] =	ssyncadd.s32 @!p1 $0xFFFFFF80;
	s5 =	simm.s32 $0x4B00  }
.LBB2_7:
0x29: {  	[bflag:$0x0] =	sbarrier.arrive $0xFFFF  }
0x2a: {  	[tilespmem:s3], [sflag:$0x2] =	stream.linear.gather [spmem:s11], $0x80, $0x38;
	[tilespmem:$0x1C300] =	vst v63  }
0x2b: {  	_ =	swait.ge [sflag:s16], $0x80  }
0x2c: {  	[sflag:s16] =	ssyncset.done $0x0  }
0x2d: {  	[sflag:s16] =	ssyncadd.s32 $0xFFFFFF80  }
0x2e: {  	v9 =	vld [tilespmem:$0x4280];
	_ =	sdelay $0x4  }
0x2f: {  	v10 =	vshrl.u32 v9, $0x3  }
0x30: {  	v10 =	vmul.u32 $0x30, v10  }
0x31: {  	v9 =	vand.u32 $0x7, v9  }
0x32: {  	v9 =	vor.u32 v9, v10  }
0x33: {  	v10 =	vperm.xlane v9, v6;
	_ =	sdelay $0x1  }
0x34: {  	v10 =	vadd.s32 v7, v10;
	_ =	sdelay $0x3  }
0x35: {  	v9 =	vperm.xlane v9, v8  }
0x36: {  	[tilespmem:s24], [sflag:$0x1] =	stream.indirect_vreg.gather [hbm4b:s2+s4], $0x80, v10, vm1, $0xb8;
	[tilespmem:$0x1C300] =	vst v63  }
0x37: {  	v9 =	vadd.s32 v7, v9  }
0x38: {  	[tilespmem:s5], [sflag:$0x1] =	stream.indirect_vreg.gather [hbm4b:s12+s4], $0x80, v10, vm1, $0xb8;
	[tilespmem:$0x1C300] =	vst v63  }
0x39: {  	_ = 	snop  }
0x3a: {  	[tilespmem:s6], [sflag:$0x1] =	stream.indirect_vreg.gather [hbm4b:s13+s4], $0x80, v10, vm1, $0xb8;
	[tilespmem:$0x1C300] =	vst v63  }
0x3b: {  	_ = 	snop  }
0x3c: {  	[tilespmem:s7], [sflag:$0x1] =	stream.indirect_vreg.gather [hbm4b:s2+s4], $0x80, v9, vm1, $0xb8;
	[tilespmem:$0x1C300] =	vst v63  }
0x3d: {  	_ = 	snop  }
0x3e: {  	[tilespmem:s8], [sflag:$0x1] =	stream.indirect_vreg.gather [hbm4b:s12+s4], $0x80, v9, vm1, $0xb8;
	[tilespmem:$0x1C300] =	vst v63  }
0x3f: {  	s9 =	simm.s32 $0x6B00  }
0x40: {  	[tilespmem:s9], [sflag:$0x1] =	stream.indirect_vreg.gather [hbm4b:s13+s4], $0x80, v9, vm1, $0xb8;
	[tilespmem:$0x1C300] =	vst v63  }
0x41: {  	v9 =	vld [tilespmem:$0x4290];
	_ =	sdelay $0x4  }
0x42: {  	v10 =	vshrl.u32 v9, $0x3  }
0x43: {  	v10 =	vmul.u32 $0x30, v10  }
0x44: {  	v9 =	vand.u32 $0x7, v9  }
0x45: {  	v9 =	vor.u32 v9, v10  }
0x46: {  	v10 =	vperm.xlane v9, v6;
	_ =	sdelay $0x1  }
0x47: {  	v10 =	vadd.s32 v7, v10;
	_ =	sdelay $0x3  }
0x48: {  	s9 =	simm.s32 $0x7300;
	v9 =	vperm.xlane v9, v8  }
0x49: {  	[tilespmem:s9], [sflag:$0x1] =	stream.indirect_vreg.gather [hbm4b:s2+s4], $0x80, v10, vm1, $0xb8;
	[tilespmem:$0x1C300] =	vst v63  }
0x4a: {  	v9 =	vadd.s32 v7, v9;
	s9 =	simm.s32 $0x7B00  }
0x4b: {  	[tilespmem:s9], [sflag:$0x1] =	stream.indirect_vreg.gather [hbm4b:s12+s4], $0x80, v10, vm1, $0xb8;
	[tilespmem:$0x1C300] =	vst v63  }
0x4c: {  	s9 =	simm.s32 $0x8300  }
0x4d: {  	[tilespmem:s9], [sflag:$0x1] =	stream.indirect_vreg.gather [hbm4b:s13+s4], $0x80, v10, vm1, $0xb8;
	[tilespmem:$0x1C300] =	vst v63  }
0x4e: {  	s9 =	simm.s32 $0x8B00  }
0x4f: {  	[tilespmem:s9], [sflag:$0x1] =	stream.indirect_vreg.gather [hbm4b:s2+s4], $0x80, v9, vm1, $0xb8;
	[tilespmem:$0x1C300] =	vst v63  }
0x50: {  	s9 =	simm.s32 $0x9300  }
0x51: {  	[tilespmem:s9], [sflag:$0x1] =	stream.indirect_vreg.gather [hbm4b:s12+s4], $0x80, v9, vm1, $0xb8;
	[tilespmem:$0x1C300] =	vst v63  }
0x52: {  	s9 =	simm.s32 $0x9B00  }
0x53: {  	[tilespmem:s9], [sflag:$0x1] =	stream.indirect_vreg.gather [hbm4b:s13+s4], $0x80, v9, vm1, $0xb8;
	[tilespmem:$0x1C300] =	vst v63  }
0x54: {  	v9 =	vld [tilespmem:$0x42A0];
	_ =	sdelay $0x4  }
0x55: {  	v10 =	vshrl.u32 v9, $0x3  }
0x56: {  	v10 =	vmul.u32 $0x30, v10  }
0x57: {  	v9 =	vand.u32 $0x7, v9  }
0x58: {  	v9 =	vor.u32 v9, v10  }
0x59: {  	v10 =	vperm.xlane v9, v6;
	_ =	sdelay $0x1  }
0x5a: {  	v10 =	vadd.s32 v7, v10;
	_ =	sdelay $0x3  }
0x5b: {  	s9 =	simm.s32 $0xA300;
	v9 =	vperm.xlane v9, v8  }
0x5c: {  	[tilespmem:s9], [sflag:$0x1] =	stream.indirect_vreg.gather [hbm4b:s2+s4], $0x80, v10, vm1, $0xb8;
	[tilespmem:$0x1C300] =	vst v63  }
0x5d: {  	v9 =	vadd.s32 v7, v9;
	s9 =	simm.s32 $0xAB00  }
0x5e: {  	[tilespmem:s9], [sflag:$0x1] =	stream.indirect_vreg.gather [hbm4b:s12+s4], $0x80, v10, vm1, $0xb8;
	[tilespmem:$0x1C300] =	vst v63  }
0x5f: {  	s9 =	simm.s32 $0xB300  }
0x60: {  	[tilespmem:s9], [sflag:$0x1] =	stream.indirect_vreg.gather [hbm4b:s13+s4], $0x80, v10, vm1, $0xb8;
	[tilespmem:$0x1C300] =	vst v63  }
0x61: {  	s9 =	simm.s32 $0xBB00  }
0x62: {  	[tilespmem:s9], [sflag:$0x1] =	stream.indirect_vreg.gather [hbm4b:s2+s4], $0x80, v9, vm1, $0xb8;
	[tilespmem:$0x1C300] =	vst v63  }
0x63: {  	s9 =	simm.s32 $0xC300  }
0x64: {  	[tilespmem:s9], [sflag:$0x1] =	stream.indirect_vreg.gather [hbm4b:s12+s4], $0x80, v9, vm1, $0xb8;
	[tilespmem:$0x1C300] =	vst v63  }
0x65: {  	s9 =	simm.s32 $0xCB00  }
0x66: {  	[tilespmem:s9], [sflag:$0x1] =	stream.indirect_vreg.gather [hbm4b:s13+s4], $0x80, v9, vm1, $0xb8;
	[tilespmem:$0x1C300] =	vst v63  }
0x67: {  	v9 =	vld [tilespmem:$0x42B0];
	_ =	sdelay $0x4  }
0x68: {  	v10 =	vshrl.u32 v9, $0x3  }
0x69: {  	v10 =	vmul.u32 $0x30, v10  }
0x6a: {  	v9 =	vand.u32 $0x7, v9  }
0x6b: {  	v9 =	vor.u32 v9, v10  }
0x6c: {  	v10 =	vperm.xlane v9, v6;
	_ =	sdelay $0x1  }
0x6d: {  	v10 =	vadd.s32 v7, v10;
	_ =	sdelay $0x3  }
0x6e: {  	s9 =	simm.s32 $0xD300;
	v9 =	vperm.xlane v9, v8  }
0x6f: {  	[tilespmem:s9], [sflag:$0x1] =	stream.indirect_vreg.gather [hbm4b:s2+s4], $0x80, v10, vm1, $0xb8;
	[tilespmem:$0x1C300] =	vst v63  }
0x70: {  	v9 =	vadd.s32 v7, v9;
	s9 =	simm.s32 $0xDB00  }
0x71: {  	[tilespmem:s9], [sflag:$0x1] =	stream.indirect_vreg.gather [hbm4b:s12+s4], $0x80, v10, vm1, $0xb8;
	[tilespmem:$0x1C300] =	vst v63  }
0x72: {  	s9 =	simm.s32 $0xE300  }
0x73: {  	[tilespmem:s9], [sflag:$0x1] =	stream.indirect_vreg.gather [hbm4b:s13+s4], $0x80, v10, vm1, $0xb8;
	[tilespmem:$0x1C300] =	vst v63  }
0x74: {  	s9 =	simm.s32 $0xEB00  }
0x75: {  	[tilespmem:s9], [sflag:$0x1] =	stream.indirect_vreg.gather [hbm4b:s2+s4], $0x80, v9, vm1, $0xb8;
	[tilespmem:$0x1C300] =	vst v63  }
0x76: {  	s9 =	simm.s32 $0xF300  }
0x77: {  	[tilespmem:s9], [sflag:$0x1] =	stream.indirect_vreg.gather [hbm4b:s12+s4], $0x80, v9, vm1, $0xb8;
	[tilespmem:$0x1C300] =	vst v63  }
0x78: {  	s9 =	simm.s32 $0xFB00  }
0x79: {  	[tilespmem:s9], [sflag:$0x1] =	stream.indirect_vreg.gather [hbm4b:s13+s4], $0x80, v9, vm1, $0xb8;
	[tilespmem:$0x1C300] =	vst v63  }
0x7a: {  	v9 =	vld [tilespmem:$0x42C0];
	_ =	sdelay $0x4  }
0x7b: {  	v10 =	vshrl.u32 v9, $0x3  }
0x7c: {  	v10 =	vmul.u32 $0x30, v10  }
0x7d: {  	v9 =	vand.u32 $0x7, v9  }
0x7e: {  	v9 =	vor.u32 v9, v10  }
0x7f: {  	v10 =	vperm.xlane v9, v6;
	_ =	sdelay $0x1  }
0x80: {  	v10 =	vadd.s32 v7, v10;
	_ =	sdelay $0x3  }
0x81: {  	s9 =	simm.s32 $0x10300;
	v9 =	vperm.xlane v9, v8  }
0x82: {  	[tilespmem:s9], [sflag:$0x1] =	stream.indirect_vreg.gather [hbm4b:s2+s4], $0x80, v10, vm1, $0xb8;
	[tilespmem:$0x1C300] =	vst v63  }
0x83: {  	v9 =	vadd.s32 v7, v9;
	s9 =	simm.s32 $0x10B00  }
0x84: {  	[tilespmem:s9], [sflag:$0x1] =	stream.indirect_vreg.gather [hbm4b:s12+s4], $0x80, v10, vm1, $0xb8;
	[tilespmem:$0x1C300] =	vst v63  }
0x85: {  	s9 =	simm.s32 $0x11300  }
0x86: {  	[tilespmem:s9], [sflag:$0x1] =	stream.indirect_vreg.gather [hbm4b:s13+s4], $0x80, v10, vm1, $0xb8;
	[tilespmem:$0x1C300] =	vst v63  }
0x87: {  	s9 =	simm.s32 $0x11B00  }
0x88: {  	[tilespmem:s9], [sflag:$0x1] =	stream.indirect_vreg.gather [hbm4b:s2+s4], $0x80, v9, vm1, $0xb8;
	[tilespmem:$0x1C300] =	vst v63  }
0x89: {  	s9 =	simm.s32 $0x12300  }
0x8a: {  	[tilespmem:s9], [sflag:$0x1] =	stream.indirect_vreg.gather [hbm4b:s12+s4], $0x80, v9, vm1, $0xb8;
	[tilespmem:$0x1C300] =	vst v63  }
0x8b: {  	s9 =	simm.s32 $0x12B00  }
0x8c: {  	[tilespmem:s9], [sflag:$0x1] =	stream.indirect_vreg.gather [hbm4b:s13+s4], $0x80, v9, vm1, $0xb8;
	[tilespmem:$0x1C300] =	vst v63  }
0x8d: {  	v9 =	vld [tilespmem:$0x42D0];
	_ =	sdelay $0x4  }
0x8e: {  	v10 =	vshrl.u32 v9, $0x3  }
0x8f: {  	v10 =	vmul.u32 $0x30, v10  }
0x90: {  	v9 =	vand.u32 $0x7, v9  }
0x91: {  	v9 =	vor.u32 v9, v10  }
0x92: {  	v10 =	vperm.xlane v9, v6;
	_ =	sdelay $0x1  }
0x93: {  	v10 =	vadd.s32 v7, v10;
	_ =	sdelay $0x3  }
0x94: {  	s9 =	simm.s32 $0x13300;
	v9 =	vperm.xlane v9, v8  }
0x95: {  	[tilespmem:s9], [sflag:$0x1] =	stream.indirect_vreg.gather [hbm4b:s2+s4], $0x80, v10, vm1, $0xb8;
	[tilespmem:$0x1C300] =	vst v63  }
0x96: {  	v9 =	vadd.s32 v7, v9;
	s9 =	simm.s32 $0x13B00  }
0x97: {  	[tilespmem:s9], [sflag:$0x1] =	stream.indirect_vreg.gather [hbm4b:s12+s4], $0x80, v10, vm1, $0xb8;
	[tilespmem:$0x1C300] =	vst v63  }
0x98: {  	s9 =	simm.s32 $0x14300  }
0x99: {  	[tilespmem:s9], [sflag:$0x1] =	stream.indirect_vreg.gather [hbm4b:s13+s4], $0x80, v10, vm1, $0xb8;
	[tilespmem:$0x1C300] =	vst v63  }
0x9a: {  	s9 =	simm.s32 $0x14B00  }
0x9b: {  	[tilespmem:s9], [sflag:$0x1] =	stream.indirect_vreg.gather [hbm4b:s2+s4], $0x80, v9, vm1, $0xb8;
	[tilespmem:$0x1C300] =	vst v63  }
0x9c: {  	s9 =	simm.s32 $0x15300  }
0x9d: {  	[tilespmem:s9], [sflag:$0x1] =	stream.indirect_vreg.gather [hbm4b:s12+s4], $0x80, v9, vm1, $0xb8;
	[tilespmem:$0x1C300] =	vst v63  }
0x9e: {  	s9 =	simm.s32 $0x15B00  }
0x9f: {  	[tilespmem:s9], [sflag:$0x1] =	stream.indirect_vreg.gather [hbm4b:s13+s4], $0x80, v9, vm1, $0xb8;
	[tilespmem:$0x1C300] =	vst v63  }
0xa0: {  	v9 =	vld [tilespmem:$0x42E0];
	_ =	sdelay $0x4  }
0xa1: {  	v10 =	vshrl.u32 v9, $0x3  }
0xa2: {  	v10 =	vmul.u32 $0x30, v10  }
0xa3: {  	v9 =	vand.u32 $0x7, v9  }
0xa4: {  	v9 =	vor.u32 v9, v10  }
0xa5: {  	v10 =	vperm.xlane v9, v6;
	_ =	sdelay $0x1  }
0xa6: {  	v10 =	vadd.s32 v7, v10;
	_ =	sdelay $0x3  }
0xa7: {  	s9 =	simm.s32 $0x16300;
	v9 =	vperm.xlane v9, v8  }
0xa8: {  	[tilespmem:s9], [sflag:$0x1] =	stream.indirect_vreg.gather [hbm4b:s2+s4], $0x80, v10, vm1, $0xb8;
	[tilespmem:$0x1C300] =	vst v63  }
0xa9: {  	v9 =	vadd.s32 v7, v9  }
0xaa: {  	[tilespmem:s10], [sflag:$0x1] =	stream.indirect_vreg.gather [hbm4b:s12+s4], $0x80, v10, vm1, $0xb8;
	[tilespmem:$0x1C300] =	vst v63  }
0xab: {  	_ = 	snop  }
0xac: {  	[tilespmem:s23], [sflag:$0x1] =	stream.indirect_vreg.gather [hbm4b:s13+s4], $0x80, v10, vm1, $0xb8;
	[tilespmem:$0x1C300] =	vst v63  }
0xad: {  	_ = 	snop  }
0xae: {  	[tilespmem:s25], [sflag:$0x1] =	stream.indirect_vreg.gather [hbm4b:s2+s4], $0x80, v9, vm1, $0xb8;
	[tilespmem:$0x1C300] =	vst v63  }
0xaf: {  	_ = 	snop  }
0xb0: {  	[tilespmem:s26], [sflag:$0x1] =	stream.indirect_vreg.gather [hbm4b:s12+s4], $0x80, v9, vm1, $0xb8;
	[tilespmem:$0x1C300] =	vst v63  }
0xb1: {  	_ = 	snop  }
0xb2: {  	[tilespmem:s28], [sflag:$0x1] =	stream.indirect_vreg.gather [hbm4b:s13+s4], $0x80, v9, vm1, $0xb8;
	[tilespmem:$0x1C300] =	vst v63  }
0xb3: {  	v9 =	vld [tilespmem:$0x42F0];
	_ =	sdelay $0x4  }
0xb4: {  	v10 =	vshrl.u32 v9, $0x3  }
0xb5: {  	v10 =	vmul.u32 $0x30, v10  }
0xb6: {  	v9 =	vand.u32 $0x7, v9  }
0xb7: {  	v9 =	vor.u32 v9, v10  }
0xb8: {  	v10 =	vperm.xlane v9, v6;
	_ =	sdelay $0x1  }
0xb9: {  	v10 =	vadd.s32 v7, v10;
	_ =	sdelay $0x3  }
0xba: {  	v9 =	vperm.xlane v9, v8  }
0xbb: {  	[tilespmem:s29], [sflag:$0x1] =	stream.indirect_vreg.gather [hbm4b:s2+s4], $0x80, v10, vm1, $0xb8;
	[tilespmem:$0x1C300] =	vst v63  }
0xbc: {  	v9 =	vadd.s32 v7, v9  }
0xbd: {  	[tilespmem:s30], [sflag:$0x1] =	stream.indirect_vreg.gather [hbm4b:s12+s4], $0x80, v10, vm1, $0xb8;
	[tilespmem:$0x1C300] =	vst v63  }
0xbe: {  	_ = 	snop  }
0xbf: {  	[tilespmem:s31], [sflag:$0x1] =	stream.indirect_vreg.gather [hbm4b:s13+s4], $0x80, v10, vm1, $0xb8;
	[tilespmem:$0x1C300] =	vst v63  }
0xc0: {  	_ = 	snop  }
0xc1: {  	[tilespmem:s0], [sflag:$0x1] =	stream.indirect_vreg.gather [hbm4b:s2+s4], $0x80, v9, vm1, $0xb8;
	[tilespmem:$0x1C300] =	vst v63  }
0xc2: {  	_ = 	snop  }
0xc3: {  	[tilespmem:s1], [sflag:$0x1] =	stream.indirect_vreg.gather [hbm4b:s12+s4], $0x80, v9, vm1, $0xb8;
	[tilespmem:$0x1C300] =	vst v63  }
0xc4: {  	_ = 	snop  }
0xc5: {  	[tilespmem:s17], [sflag:$0x1] =	stream.indirect_vreg.gather [hbm4b:s13+s4], $0x80, v9, vm1, $0xb8;
	[tilespmem:$0x1C300] =	vst v63  }
0xc6: {  	s19 =	sadd.s32 $0x1, s19;
	_ =	swait.ge [sflag:s18], $0x18000  }
0xc7: {  	p2 =	sne.s32 s19, s15;
	[sflag:s18] =	ssyncset.done $0x0  }
.Ltmp1:
0xc8: {  	[sflag:s18] =	ssyncadd.s32 $0xFFFE8000;
	(pc) =	sbr.rel @!p2 .LBB2_8-.Ltmp1, $4  }
0xc9: {  	[hbm4b:s14+s4] =	stream.linear.scatter [tilespmem:s24], [sflag:$0x2], $0x18000, $0x38;
	[tilespmem:$0x1C300] =	vst v63  }
0xca: {  	_ =	swait.ge [sflag:s16], $0x18000  }
0xcb: {  	[sflag:s16] =	ssyncset.done $0x0  }
0xcc: {  	[sflag:s16] =	ssyncadd.s32 $0xFFFE8000  }
.LBB2_1:
.Ltmp2:
0xcd: {  	(pc) =	sbr.rel @p0 .LBB2_7-.Ltmp2, $1  }
0xce: {  	_ =	sdelay $0x3  }
0xcf: {  	s3 =	simm.s32 $0x0;
	s5 =	rddreg [dreg:$0x0]  }
0xd0: {  	[tilespmem:s3], [sflag:$0x2] =	stream.linear.gather [hbm4b:s5+s3], $0x800, $0x38;
	[tilespmem:$0x1C300] =	vst v63  }
0xd1: {  	_ =	swait.ge [sflag:s16], $0x800  }
0xd2: {  	[sflag:s16] =	ssyncset.done $0x0  }
0xd3: {  	s6 =	simm.s32 $0x800;
	s7 =	rddreg [dreg:$0x5];
	[sflag:s16] =	ssyncadd.s32 $0xFFFFF800  }
0xd4: {  	[tilespmem:s6], [sflag:$0x2] =	stream.linear.gather [hbm4b:s7+s3], $0x800, $0x38;
	[tilespmem:$0x1C300] =	vst v63  }
0xd5: {  	_ =	swait.ge [sflag:s16], $0x800  }
0xd6: {  	[sflag:s16] =	ssyncset.done $0x0  }
0xd7: {  	s9 =	simm.s32 $0x1000;
	s8 =	rddreg [dreg:$0x6];
	[sflag:s16] =	ssyncadd.s32 $0xFFFFF800  }
0xd8: {  	[tilespmem:s9], [sflag:$0x2] =	stream.linear.gather [hbm4b:s8+s3], $0x800, $0x38;
	[tilespmem:$0x1C300] =	vst v63  }
0xd9: {  	_ =	swait.ge [sflag:s16], $0x800  }
0xda: {  	[sflag:s16] =	ssyncset.done $0x0  }
0xdb: {  	s8 =	simm.s32 $0x1800;
	s7 =	rddreg [dreg:$0x7];
	[sflag:s16] =	ssyncadd.s32 $0xFFFFF800  }
0xdc: {  	[tilespmem:s8], [sflag:$0x2] =	stream.linear.gather [hbm4b:s7+s3], $0x80, $0x38;
	[tilespmem:$0x1C300] =	vst v63  }
0xdd: {  	_ =	swait.ge [sflag:s16], $0x80  }
0xde: {  	[sflag:s16] =	ssyncset.done $0x0  }
0xdf: {  	[sflag:s16] =	ssyncadd.s32 $0xFFFFFF80  }
0xe0: {  	v9 =	vld [tilespmem:$0x1800];
	_ =	sdelay $0x4  }
0xe1: {  	v9 =	vadd.s32 $0x7F, v9  }
0xe2: {  	v9 =	vshra.s32 v9, $0x7  }
0xe3: {  	(xrf0) =	vadd.scan.msk.s32 $0xffff, v9;
	_ =	sdelay $0x4  }
0xe4: {  	vm2 =	vgt.s32 v9, $0x0  }
0xe5: {  	v11 =	vnsel vm2, $0x80000000, v1;
	v10, _, _ =	vpop (xrf0)  }
0xe6: {  	(xrf0) =	vmax.scan.msk.u32 $0xffff, v11;
	v11 =	vnsel vm0, $0x0, v10  }
0xe7: {  	(xrf0) =	vadd.scan.msk.s32 $0xffff, v11  }
0xe8: {  	vm2 =	vcmask $0x308  }
0xe9: {  	v11 =	vsel vm2, $0x0, v10;
	vm2 =	vcmask $0x70C  }
0xea: {  	(xrf0) =	vadd.scan.msk.s32 $0xffff, v11;
	v11 =	vsel vm2, $0x0, v10  }
0xeb: {  	(xrf0) =	vadd.scan.msk.s32 $0xffff, v11;
	v11 =	vsel vm3, $0x0, v10  }
0xec: {  	v12, _, _ =	vpop (xrf0);
	(xrf0) =	vadd.scan.msk.s32 $0xffff, v11;
	v11 =	vsel vm4, $0x0, v10  }
0xed: {  	v13, _, _ =	vpop (xrf0);
	(xrf0) =	vadd.scan.msk.s32 $0xffff, v11  }
0xee: {  	v14 =	vsel vm5, $0x0, v10;
	v15 =	vsel vm6, $0x0, v10  }
0xef: {  	v9 =	vsub.s32 v10, v9;
	v18 =	vsel vm7, $0x0, v10;
	v19 =	vsel vm8, $0x0, v10;
	(xrf0) =	vadd.scan.msk.s32 $0xffff, v14  }
0xf0: {  	v28 =	vsel vm9, $0x0, v10;
	v21 =	vsel vm10, $0x0, v10;
	v11 =	vbroadcast v13, $0xF;
	v60, _, _ =	vpop (xrf0)  }
0xf1: {  	v31 =	vsel vm11, $0x0, v10;
	v33 =	vsel vm12, $0x0, v10;
	v13 =	vbroadcast v60, $0xF;
	v61, _, _ =	vpop (xrf0);
	(xrf0) =	vadd.scan.msk.s32 $0xffff, v15  }
0xf2: {  	v34 =	vsel vm13, $0x0, v10;
	vm2 =	vlt.s32 v11, v2;
	v14 =	vbroadcast v61, $0xF;
	v17, _, _ =	vpop (xrf0)  }
0xf3: {  	v36 =	vsel vm14, $0x0, v10;
	v16 =	vsel vm2, $0x1, v3;
	vm2 =	vlt.s32 v13, v2;
	v25, _, _ =	vpop (xrf0);
	(xrf0) =	vadd.scan.msk.s32 $0xffff, v18  }
0xf4: {  	v63 =	vbroadcast v17, $0xF;
	v62 =	vsel vm2, $0x1, v3;
	vm2 =	vlt.s32 v14, v2;
	(xrf0) =	vadd.scan.msk.s32 $0xffff, v19  }
0xf5: {  	v15 =	vadd.s32 v62, v16;
	v26 =	vsel vm2, $0x1, v3;
	v17 =	vbroadcast v25, $0xF;
	v27, _, _ =	vpop (xrf0);
	(xrf0) =	vadd.scan.msk.s32 $0xffff, v28  }
0xf6: {  	(v2sf) =	vpush v12, $0xF;
	vm2 =	vlt.s32 v63, v2;
	v15 =	vadd.s32 v26, v15;
	(xrf0) =	vadd.scan.msk.s32 $0xffff, v21  }
0xf7: {  	v20 =	vsel vm2, $0x1, v3;
	v18 =	vbroadcast v27, $0xF;
	v30, _, _ =	vpop (xrf0);
	vm2 =	vlt.s32 v17, v2  }
0xf8: {  	v15 =	vadd.s32 v20, v15;
	v20 =	vbroadcast v30, $0xF;
	v29 =	vsel vm2, $0x1, v3;
	(xrf0) =	vadd.scan.msk.s32 $0xffff, v31  }
0xf9: {  	v10 =	vsel vm15, $0x0, v10;
	vm2 =	vlt.s32 v18, v2;
	v15 =	vadd.s32 v29, v15;
	(xrf0) =	vadd.scan.msk.s32 $0xffff, v33;
	v22, _, _ =	vpop (xrf0)  }
0xfa: {  	v32 =	vsel vm2, $0x1, v3;
	vm2 =	vlt.s32 v20, v2;
	(xrf0) =	vadd.scan.msk.s32 $0xffff, v34;
	v22 =	vbroadcast v22, $0xF;
	v23, _, _ =	vpop (xrf0)  }
0xfb: {  	v15 =	vadd.s32 v32, v15;
	v35 =	vsel vm2, $0x1, v3;
	(xrf0) =	vadd.scan.msk.s32 $0xffff, v36;
	v23 =	vbroadcast v23, $0xF;
	v24, _, _ =	vpop (xrf0)  }
0xfc: {  	v15 =	vadd.s32 v35, v15;
	(xrf0) =	vadd.scan.msk.s32 $0xffff, v10;
	vm2 =	vlt.s32 v22, v2;
	v38 =	vbroadcast v24, $0xF;
	v10, _, _ =	vpop (xrf0)  }
0xfd: {  	v37 =	vsel vm2, $0x1, v3;
	vm2 =	vlt.s32 v23, v2;
	v10 =	vbroadcast v10, $0xF  }
0xfe: {  	v40, _, _ =	vpop (xrf0);
	v39 =	vadd.s32 v37, v15;
	v41 =	vsel vm2, $0x1, v3;
	vm2 =	vlt.s32 v38, v2  }
0xff: {  	v42, _, _ =	vpop (xrf0);
	v15 =	vbroadcast v40, $0xF;
	v12 =	vadd.s32 v41, v39;
	v43 =	vsel vm2, $0x1, v3  }
0x100: {  	v25, _, _ =	vpop (xrf0);
	vm2 =	vlt.s32 v10, v2;
	v44 =	vbroadcast v42, $0xF;
	v12 =	vadd.s32 v43, v12  }
0x101: {  	v45, _, _ =	vpop (xrf0);
	v26 =	vsel vm2, $0x1, v3;
	vm2 =	vlt.s32 v15, v2;
	v25 =	vbroadcast v25, $0xF  }
0x102: {  	v27 =	vsel vm2, $0x1, v3;
	vm2 =	vlt.s32 v44, v2;
	v24 =	vbroadcast v45, $0xF;
	v28, _, _ =	vpop (xrf0)  }
0x103: {  	v29 =	vsel vm2, $0x1, v3;
	vm2 =	vlt.s32 v25, v2;
	v28 =	vbroadcast v28, $0xF  }
0x104: {  	v12 =	vadd.s32 v26, v12;
	v46 =	vsel vm2, $0x1, v3;
	vm2 =	vlt.s32 v24, v2  }
0x105: {  	v12 =	vadd.s32 v27, v12;
	v47 =	vsel vm2, $0x1, v3;
	vm2 =	vlt.s32 v28, v2  }
0x106: {  	v12 =	vadd.s32 v29, v12;
	v48 =	vsel vm2, $0x1, v3;
	vm2 =	vlt.s32 v11, v4  }
0x107: {  	v11 =	vadd.s32 v46, v12;
	v49 =	vsel vm2, $0x1, v3;
	vm2 =	vlt.s32 v13, v4  }
0x108: {  	v11 =	vadd.s32 v47, v11;
	v13 =	vsel vm2, $0x1, v3;
	vm2 =	vlt.s32 v14, v4  }
0x109: {  	v12 =	vadd.s32 v13, v49;
	v50 =	vsel vm2, $0x1, v3;
	vm2 =	vlt.s32 v63, v4  }
0x10a: {  	v12 =	vadd.s32 v50, v12;
	v51 =	vsel vm2, $0x1, v3;
	vm2 =	vlt.s32 v17, v4  }
0x10b: {  	v12 =	vadd.s32 v51, v12;
	v52 =	vsel vm2, $0x1, v3;
	vm2 =	vlt.s32 v18, v4  }
0x10c: {  	v12 =	vadd.s32 v52, v12;
	v53 =	vsel vm2, $0x1, v3;
	vm2 =	vlt.s32 v20, v4  }
0x10d: {  	v12 =	vadd.s32 v53, v12;
	v54 =	vsel vm2, $0x1, v3;
	vm2 =	vlt.s32 v22, v4  }
0x10e: {  	v12 =	vadd.s32 v54, v12;
	v55 =	vsel vm2, $0x1, v3;
	vm2 =	vlt.s32 v23, v4  }
0x10f: {  	v12 =	vadd.s32 v55, v12;
	v56 =	vsel vm2, $0x1, v3;
	vm2 =	vlt.s32 v38, v4  }
0x110: {  	v12 =	vadd.s32 v56, v12;
	v57 =	vsel vm2, $0x1, v3;
	vm2 =	vlt.s32 v10, v4  }
0x111: {  	v10 =	vadd.s32 v57, v12;
	v58 =	vsel vm2, $0x1, v3;
	vm2 =	vlt.s32 v15, v4  }
0x112: {  	v10 =	vadd.s32 v58, v10;
	v59 =	vsel vm2, $0x1, v3;
	vm2 =	vlt.s32 v44, v4  }
0x113: {  	v10 =	vadd.s32 v59, v10;
	v60 =	vsel vm2, $0x1, v3;
	vm2 =	vlt.s32 v25, v4  }
0x114: {  	v10 =	vadd.s32 v60, v10;
	v61 =	vsel vm2, $0x1, v3;
	vm2 =	vlt.s32 v24, v4  }
0x115: {  	s9 =	spop (v2sf);
	v10 =	vadd.s32 v61, v10;
	v62 =	vsel vm2, $0x1, v3;
	vm2 =	vlt.s32 v28, v4  }
0x116: {  	s5 =	sxor.u32 $0x80000000, s9;
	v11 =	vadd.s32 v48, v11;
	v10 =	vadd.s32 v62, v10;
	v63 =	vsel vm2, $0x1, v3  }
0x117: {  	v9 =	vshll.u32 v9, $0x7;
	vm2 =	vlt.s32 v11, s5;
	v10 =	vadd.s32 v63, v10  }
0x118: {  	[tilespmem:$0x1880] =	vst v9;
	v9 =	vnsel vm2, s5, v11;
	vm2 =	vlt.s32 v10, s5  }
0x119: {  	[tilespmem:$0x4100] =	vst v9;
	v10 =	vnsel vm2, s5, v10  }
0x11a: {  	s6 =	simm.s32 $0x3100;
	s7 =	simm.s32 $0x0;
	s5 =	simm.s32 $0x2100;
	[tilespmem:$0x4110] =	vst v10  }
.LBB2_3:
0x11b: {  	p2 =	sne.s32 s7, $0xFF0  }
.Ltmp3:
0x11c: {  	_ = 	snop;
	(pc) =	sbr.rel @p2 .LBB2_3-.Ltmp3, $4  }
0x11d: {  	v9 =	vor.u32 s7, v0  }
0x11e: {  	v9 =	vand.u32 $0x7FF, v9  }
0x11f: {  	[tilespmem:s5+$0x0] =	vst v9  }
0x120: {  	s7 =	sadd.s32 $0x10, s7;
	s5 =	sadd.s32 $0x10, s5;
	[tilespmem:s6+$0x0] =	vst v5;
	s6 =	sadd.s32 $0x10, s6  }
0x121: {  	s5 =	simm.s32 $0x800  }
0x122: {  	s6 =	simm.s32 $0x1000;
	s7 =	simm.s32 $0x1900;
	s8 =	simm.s32 $0x0  }
.LBB2_5:
0x123: {  	v9 =	vld [tilespmem:s3+$0x0];
	_ =	sdelay $0x6  }
0x124: {  	v10 =	vld [tilespmem:s5+$0x0]  }
0x125: {  	v9 =	vld.idx.msk [tilespmem:v9+s20+$0x0], $0xffff;
	_ =	sdelay $0x4  }
0x126: {  	v9 =	vadd.s32 v10, v9  }
0x127: {  	p2 =	sne.s32 s8, $0x7F0;
	v10 =	vld [tilespmem:s6+$0x0]  }
.Ltmp4:
0x128: {  	_ = 	snop;
	(pc) =	sbr.rel @p2 .LBB2_5-.Ltmp4, $4  }
0x129: {  	_ = 	snop  }
0x12a: {  	v11 =	vor.u32 s8, v0;
	[tilespmem:s7+$0x0] =	vst v9  }
0x12b: {  	s3 =	sadd.s32 $0x10, s3;
	s5 =	sadd.s32 $0x10, s5;
	[tilespmem:v9+s21+$0x0] =	vst.idx.msk $0xffff, v11  }
0x12c: {  	s8 =	sadd.s32 $0x10, s8;
	s6 =	sadd.s32 $0x10, s6;
	s7 =	sadd.s32 $0x10, s7;
	[tilespmem:v9+s22+$0x0] =	vst.idx.msk $0xffff, v10  }
.Ltmp5:
0x12d: {  	_ = 	snop;
	(pc) =	sbr.rel .LBB2_6-.Ltmp5, $1  }
0x12e: {  	_ =	sdelay $0x3  }
.LBB2_8:
0x12f: {  	_ =	sfence.sel $0x180000  }
0x130: {  	[bflag:$0x0] =	sbarrier.arrive $0xFFFF  }
0x131: {  	_ =	strace $0x90000047  }
0x132: {  	[bflag:$0x2] =	sbarrier.arrive $0xFFFF  }
0x133: {  	s0 =	rddreg [dreg:$0x4]  }
0x134: {  	s0 =	sadd.s32 @!p0 $0x100000, s0  }
0x135: {  	[sflag:s0] =	ssyncadd.tile.s32 @!p0 $0x1;
	_ =	shalt  }
.Lfunc_end2:
_tile_overlayer_lowered:
.L_overlay_start_2:
0x136: {  	(tag) =	ssettag $0x2  }
0x137: {  	s0 =	rddreg [dreg:$0x0];
	s2 =	stileid.u32  }
0x138: {  	s1 =	rddreg [dreg:$0x1];
	p0 =	sne.s32 s2, $0x0  }
0x139: {  	s3 =	rddreg [dreg:$0x2];
	[bflag:$0x3] =	sbarrier.arrive $0xFFFF;
	s2 =	simm.s32 @!p0 $0x1C02  }
0x13a: {  	[timem:s3], [sflag:s2] =	dma.local @!p0 [hbm:s0], s1  }
0x13b: {  	s0 =	simm.s32 @!p0 $0x2  }
0x13c: {  	_ =	swait.ge @!p0 [sflag:s0], s1  }
0x13d: {  	s1 =	ssub.s32 @!p0 $0x0, s1;
	[sflag:s0] =	ssyncset.done @!p0 $0x0  }
0x13e: {  	[sflag:s0] =	ssyncadd.s32 @!p0 s1  }
0x13f: {  	[bflag:$0x3] =	sbarrier.arrive $0xFFFF  }
0x140: {  	_ =	shalt  }

// kernel: kernel.9.cloned.1.call-start
scs
__scs_entry_jumppad:
0x0: {  	(pc) =	sbr.rel $0x88, $3  }
0x1: {  	(tag) =	ssettag $0x0;
	lr =	simm.s32 $0x1  }
0x2: {  	[smem:$0x3F9C] =	sst lr;
	_ =	strace $0xD0000000  }
0x3: {  	_ = 	snop  }
0x4: {  	_ = 	snop  }
0x5: {  	_ = 	snop  }
0x6: {  	_ = 	snop  }
0x7: {  	_ = 	snop  }
__scs_overlays_trampoline_lowered:
0x8: {  	[smem:$0x3FAB] =	sst s0  }
0x9: {  	[smem:$0x3FAC] =	sst s1  }
0xa: {  	[smem:$0x3FAD] =	sst s2  }
0xb: {  	[smem:$0x3FAE] =	sst s3  }
0xc: {  	[smem:$0x3FAF] =	sst s4  }
0xd: {  	[smem:$0x3FB0] =	sst s5  }
0xe: {  	[smem:$0x3FB1] =	sst s6  }
0xf: {  	[smem:$0x3FB2] =	sst s7  }
0x10: {  	[smem:$0x3FB3] =	sst s8  }
0x11: {  	[smem:$0x3FB4] =	sst s9;
	s0 =	simm.s32 @!p0 $0x0  }
0x12: {  	s1 =	sld [smem:$0x3F9A];
	s0 =	simm.s32 @p0 $0x1  }
0x13: {  	[smem:$0x3FB5] =	sst s0;
	s0 =	simm.s32 @!p1 $0x0  }
0x14: {  	s2 =	sld [smem:$0x3F99];
	s0 =	simm.s32 @p1 $0x1  }
0x15: {  	[smem:$0x3FB6] =	sst s0;
	s0 =	simm.s32 @!p2 $0x0  }
0x16: {  	s3 =	sld [smem:$0x3FDB];
	s0 =	simm.s32 @p2 $0x1  }
0x17: {  	s4 =	simm.s32 $0x1BF5;
	[smem:$0x3FB8] =	sst s0  }
0x18: {  	s0 =	sld [smem:$0x3F9B];
	_ =	swait.ge [sflag:s4], $0x0  }
0x19: {  	s7 =	sld [smem:$0x3F9C]  }
0x1a: {  	s8 =	sadd.s32 $0xFFFFE003, lr  }
0x1b: {  	s9 =	sadd.s32 $0xFFFFFEF7, lr;
	s5 =	simm.s32 $0xFFFFFFFF;
	p2 =	slt.u32 s8, $0xFFFFF086  }
0x1c: {  	p1 =	slt.u32 s9, $0xF7A;
	s5 =	simm.s32 @!p2 $0x0  }
0x1d: {  	s5 =	simm.s32 @p1 $0x1;
	p0 =	seq.s32 s7, s2  }
0x1e: {  	s7 =	smul.u32 @!p0 $0xF7A, s2;
	p2 =	seq.s32 @!p0 s5, $0x0  }
0x1f: {  	s9 =	smul.u32 $0xF7A, s1;
	s8 =	simm.s32 @!p0 $0x1BF5;
	p2 =	por !p2, p0  }
0x20: {  	[sflag:s8] =	ssyncset.s32 @!p0 $0xFFFFF086;
	s6 =	sadd.s32 @!p0 s3, s7;
	s7 =	simm.s32 @!p0 $0x108  }
0x21: {  	s3 =	sadd.s32 s3, s9;
	s6 =	sadd.s32 @!p0 $0x88, s6;
	s7 =	simm.s32 @p2 $0x1082  }
0x22: {  	[simem:s7], [sflag:s8] =	dma.local @!p0 [hbm:s6], $0xF7A  }
0x23: {  	s9 =	sor.u32 $0xD0000000, s2;
	s6 =	simm.s32 $0x108;
	_ =	swait.ge @!p0 [sflag:s8], $0x0  }
0x24: {  	s3 =	sadd.s32 $0x88, s3;
	s6 =	simm.s32 @!p1 $0x1082;
	[sflag:s4] =	ssyncset.s32 $0xFFFFF086  }
0x25: {  	[simem:s6], [sflag:s4] =	dma.local [hbm:s3], $0xF7A  }
0x26: {  	[smem:$0x3F9C] =	sst s1;
	(tag) =	ssettag s2;
	_ =	strace s9  }
0x27: {  	s1 =	sld [smem:$0x3FAC]  }
0x28: {  	s2 =	sld [smem:$0x3FAD]  }
0x29: {  	s4 =	sld [smem:$0x3FAF]  }
0x2a: {  	p0 =	seq.s32 s5, $0x0;
	s5 =	sld [smem:$0x3FB0]  }
0x2b: {  	s6 =	sld [smem:$0x3FB1]  }
0x2c: {  	s7 =	sld [smem:$0x3FB2]  }
0x2d: {  	s3 =	simm.s32 $0x108;
	s8 =	sld [smem:$0x3FB3]  }
0x2e: {  	s3 =	simm.s32 @!p0 $0x1082;
	s9 =	sld [smem:$0x3FB4]  }
0x2f: {  	lr =	sadd.s32 s0, s3;
	s0 =	sld [smem:$0x3FAB]  }
0x30: {  	s3 =	sld [smem:$0x3FAE]  }
0x31: {  	[smem:$0x3FB7] =	sst s10  }
0x32: {  	s10 =	sld [smem:$0x3FB5];
	_ =	sdelay $0x3  }
0x33: {  	p0 =	seq.s32 s10, $0x1;
	s10 =	sld [smem:$0x3FB7];
	_ =	sdelay $0x3  }
0x34: {  	[smem:$0x3FB7] =	sst s10  }
0x35: {  	s10 =	sld [smem:$0x3FB6];
	_ =	sdelay $0x3  }
0x36: {  	p1 =	seq.s32 s10, $0x1;
	s10 =	sld [smem:$0x3FB7];
	_ =	sdelay $0x3  }
0x37: {  	[smem:$0x3FB7] =	sst s10  }
0x38: {  	s10 =	sld [smem:$0x3FB8]  }
0x39: {  	_ = 	snop;
	(pc) =	sbr.ind lr, $3  }
0x3a: {  	_ = 	snop  }
0x3b: {  	_ = 	snop  }
0x3c: {  	p2 =	seq.s32 s10, $0x1;
	s10 =	sld [smem:$0x3FB7]  }
0x3d: {  	_ =	shalt  }
0x3e: {  	_ =	shalt  }
0x3f: {  	_ =	shalt  }
0x40: {  	_ =	shalt  }
0x41: {  	_ =	shalt  }
0x42: {  	_ =	shalt  }
0x43: {  	_ =	shalt  }
0x44: {  	_ =	shalt  }
0x45: {  	_ =	shalt  }
0x46: {  	_ =	shalt  }
0x47: {  	_ =	shalt  }
0x48: {  	_ =	shalt  }
0x49: {  	_ =	shalt  }
0x4a: {  	_ =	shalt  }
0x4b: {  	_ =	shalt  }
0x4c: {  	_ =	shalt  }
0x4d: {  	_ =	shalt  }
0x4e: {  	_ =	shalt  }
0x4f: {  	_ =	shalt  }
0x50: {  	_ =	shalt  }
0x51: {  	_ =	shalt  }
0x52: {  	_ =	shalt  }
0x53: {  	_ =	shalt  }
0x54: {  	_ =	shalt  }
0x55: {  	_ =	shalt  }
0x56: {  	_ =	shalt  }
0x57: {  	_ =	shalt  }
0x58: {  	_ =	shalt  }
0x59: {  	_ =	shalt  }
0x5a: {  	_ =	shalt  }
0x5b: {  	_ =	shalt  }
0x5c: {  	_ =	shalt  }
0x5d: {  	_ =	shalt  }
0x5e: {  	_ =	shalt  }
0x5f: {  	_ =	shalt  }
0x60: {  	_ =	shalt  }
0x61: {  	_ =	shalt  }
0x62: {  	_ =	shalt  }
0x63: {  	_ =	shalt  }
0x64: {  	_ =	shalt  }
0x65: {  	_ =	shalt  }
0x66: {  	_ =	shalt  }
0x67: {  	_ =	shalt  }
0x68: {  	_ =	shalt  }
0x69: {  	_ =	shalt  }
0x6a: {  	_ =	shalt  }
0x6b: {  	_ =	shalt  }
0x6c: {  	_ =	shalt  }
0x6d: {  	_ =	shalt  }
0x6e: {  	_ =	shalt  }
0x6f: {  	_ =	shalt  }
0x70: {  	_ =	shalt  }
0x71: {  	_ =	shalt  }
0x72: {  	_ =	shalt  }
0x73: {  	_ =	shalt  }
0x74: {  	_ =	shalt  }
0x75: {  	_ =	shalt  }
0x76: {  	_ =	shalt  }
0x77: {  	_ =	shalt  }
0x78: {  	_ =	shalt  }
0x79: {  	_ =	shalt  }
0x7a: {  	_ =	shalt  }
0x7b: {  	_ =	shalt  }
0x7c: {  	_ =	shalt  }
0x7d: {  	_ =	shalt  }
0x7e: {  	_ =	shalt  }
0x7f: {  	_ =	shalt  }
0x80: {  	_ =	shalt  }
0x81: {  	_ =	shalt  }
0x82: {  	_ =	shalt  }
0x83: {  	_ =	shalt  }
0x84: {  	_ =	shalt  }
0x85: {  	_ =	shalt  }
0x86: {  	_ =	shalt  }
0x87: {  	_ =	shalt  }
.Lfunc_end0:
.L_simem_size_0:
called_computation.1_lowered:
.L_overlay_start_0:
0x88: {  	s2 =	sld [smem:$0x3FD9]  }
0x89: {  	s3 =	sld [smem:$0x3FFE];
	_ =	sdelay $0x1  }
0x8a: {  	s1 =	srdreg.scid  }
0x8b: {  	s0 =	sand.u32 $0x1, s1  }
0x8c: {  	s17 =	sshll.u32 s0, $0xA;
	s2 =	sadd.s32 s3, s2  }
0x8d: {  	s2 =	sadd.s32 s2, s17  }
0x8e: {  	[smem:$0x3FC3] =	sst s2  }
0x8f: {  	_ = 	snop  }
0x90: {  	s2 =	sld [smem:$0x3FD0];
	(tm) =	ssettm $0x1  }
0x91: {  	s18 =	sld [smem:$0x3FFB];
	_ =	sdelay $0x3  }
0x92: {  	_ =	strace s18  }
0x93: {  	s3 =	sld [smem:$0x3FFC];
	_ =	sdelay $0x3  }
0x94: {  	_ =	strace s3  }
0x95: {  	s3 =	sld [smem:$0x3FFD];
	_ =	sdelay $0x3  }
0x96: {  	_ =	strace s3  }
0x97: {  	_ =	strace $0x8FFFFFFF  }
0x98: {  	s19 =	sld [smem:$0x3FDB];
	_ =	sdelay $0x1  }
0x99: {  	s4 =	simm.s32 $_scs_section_size  }
0x9a: {  	s5 =	simm.s32 $_size__tile_overlayer_lowered;
	s6 =	simm.s32 $_tile_overlayer_lowered  }
0x9b: {  	s22 =	simm.s32 $0x1BFF;
	s21 =	sshll.u32 s6, $0x1;
	s3 =	sadd.s32 s4, s19  }
0x9c: {  	s7 =	simm.s32 $0x0;
	s20 =	sshll.u32 s5, $0x1;
	s5 =	sadd.s32 s21, s3  }
0x9d: {  	[timem:s7], [sflag:s22] =	dma.local [hbm:s5], s20  }
0x9e: {  	_ =	swait.ge [sflag:s22], s20  }
0x9f: {  	s4 =	ssub.s32 $0x0, s20;
	[sflag:s22] =	ssyncset.done $0x0  }
0xa0: {  	[sflag:s22] =	ssyncadd.s32 s4;
	_ =	sdelay $0x1  }
0xa1: {  	s23 =	simm.s32 $0x1B8B  }
0xa2: {  	_ =	swait.ge [sflag:s23], $0x1  }
0xa3: {  	[sflag:s23] =	ssyncset.done $0x0  }
0xa4: {  	s25 =	simm.s32 $0x1B8E;
	s24 =	sld [smem:$0x3FFE];
	[sflag:s23] =	ssyncadd.s32 $0xFFFFFFFF  }
0xa5: {  	s26 =	simm.s32 $execute0_lowered;
	[smem:$0x3FD2] =	sst s25  }
0xa6: {  	s5 =	sshll.u32 s26, $0x1;
	_ =	strace $0x80000049;
	[dreg:$0x1] =	wrdreg $0xFFFFFFFF  }
0xa7: {  	s28 =	simm.s32 $_size_execute0_lowered;
	s3 =	sadd.s32 s3, s5;
	[dreg:$0x0] =	wrdreg $0x0  }
0xa8: {  	s5 =	sshll.u32 s28, $0x1;
	[dreg:$0x2] =	wrdreg s3  }
0xa9: {  	[dreg:$0x3] =	wrdreg s5  }
0xaa: {  	[dreg:$0x4] =	wrdreg $0xC0  }
0xab: {  	_ =	task [dreg:s7], $0x5FFFF  }
0xac: {  	[dreg:$0x1] =	wrdreg $0xFFFFFFFF  }
0xad: {  	[dreg:$0x0] =	wrdreg $0x60  }
0xae: {  	[dreg:$0x2] =	wrdreg s24  }
0xaf: {  	[dreg:$0x3] =	wrdreg s2  }
0xb0: {  	[dreg:$0x4] =	wrdreg $0x9  }
0xb1: {  	_ =	task.clear_ibuf [dreg:s7], $0x5FFFF;
	_ =	strace $0x90000049  }
0xb2: {  	s29 =	simm.s32 $0x9;
	_ =	strace $0x8000004B  }
0xb3: {  	_ =	swait.ge [sflag:s29], $0x1  }
0xb4: {  	[sflag:s29] =	ssyncadd.s32 $0xFFFFFFFF  }
0xb5: {  	_ =	strace $0x9000004B  }
0xb6: {  	_ =	sfence  }
0xb7: {  	s30 =	sld [smem:$0x0];
	_ =	sdelay $0x2  }
0xb8: {  	s31 =	sshll.u32 s1, $0xD;
	s1 =	sshrl.u32 s1, $0x2  }
0xb9: {  	s3 =	sand.u32 $0x4000, s31;
	s1 =	sadd.s32 s1, s30  }
0xba: {  	s0 =	sor.u32 s3, s0;
	s1 =	sshll.u32 s1, $0x11  }
0xbb: {  	s0 =	sor.u32 s1, s0  }
0xbc: {  	s0 =	sadd.s32 $0x8F2B, s0  }
0xbd: {  	[sflag:s0] =	ssyncadd.remote.s32 $0x1  }
0xbe: {  	_ =	sfence.sel $0xFFFF  }
0xbf: {  	[dreg:$0x0] =	wrdreg $0xFFFFFFFF;
	(pc) =	sbr.abs _section_cstart, $3  }
0xc0: {  	[dreg:$0x1] =	wrdreg $0xFFFFFFFF  }
0xc1: {  	_ =	task.clear_ibuf [dreg:s7], $0x2FFFF;
	_ =	strace $0x9FFFFFFF  }
0xc2: {  	(tm) =	ssettm $0x7FFFFFFF  }
0xc3: {  	_ =	shalt  }
tec
execute0_lowered:
.L_overlay_start_1:
0x0: {  	(tag) =	ssettag $0x1  }
0x1: {  	s0 =	rddreg [dreg:$0x0]  }
0x2: {  	s5 =	rddreg [dreg:$0x1];
	s3 =	srdreg.scid  }
0x3: {  	s2 =	simm.s32 $0x0;
	s1 =	stileid.u32;
	s26 =	simm.s32 $0x880  }
0x4: {  	s10 =	simm.s32 $0x1880;
	s11 =	simm.s32 $0x2080;
	s12 =	simm.s32 $0x2880  }
0x5: {  	s13 =	simm.s32 $0x3080;
	s14 =	simm.s32 $0x3880;
	s15 =	simm.s32 $0x4080  }
0x6: {  	s16 =	simm.s32 $0x4880;
	s17 =	simm.s32 $0x5080;
	s18 =	simm.s32 $0x5880  }
0x7: {  	s19 =	simm.s32 $0x6080;
	s20 =	simm.s32 $0x6880;
	s21 =	simm.s32 $0x7080  }
0x8: {  	s22 =	simm.s32 $0x7880;
	s28 =	simm.s32 $0xA080;
	s29 =	simm.s32 $0xA880  }
0x9: {  	s30 =	simm.s32 $0xB080;
	s31 =	simm.s32 $0xB880;
	s3 =	sand.u32 $0x1, s3  }
0xa: {  	[smem:$0x7FF] =	sst s2;
	s4 =	sshll.u32 s1, $0x4;
	s6 =	sshll.u32 s3, $0x3  }
0xb: {  	_ =	strace $0x8000004A;
	s23 =	ssub.s32 $0x2, s3;
	s3 =	sadd.s32 $0x60E00, s0  }
0xc: {  	[dreg:$0x5] =	wrdreg s26;
	s26 =	simm.s32 $0x9880;
	s4 =	sor.u32 s6, s4  }
0xd: {  	s8 =	sshrl.u32 s23, $0x1;
	s7 =	sadd.s32 s4, s0;
	s9 =	smul.u32 $0x300, s4  }
0xe: {  	s6 =	ssub.s32 s23, s8;
	s4 =	sadd.s32 $0x60F00, s0;
	s8 =	simm.s32 $0x80  }
0xf: {  	s23 =	simm.s32 $0x8080;
	s24 =	sadd.s32 $0x60C00, s7;
	s6 =	smax.u32 s6, $0x1  }
0x10: {  	v2 =	vlaneseq.u32;
	s7 =	simm.s32 $0x2;
	[dreg:$0x3] =	wrdreg s24;
	s25 =	sadd.s32 s5, s9  }
0x11: {  	vm0 =	vmmov $0xffff;
	v1 =	vshrl.u32 v2, $0x3;
	s5 =	sadd.s32 $0x61000, s0;
	s9 =	simm.s32 $0x1080;
	s24 =	simm.s32 $0x8880  }
0x12: {  	v0 =	vand.u32 $0x7, v2;
	v2 =	vor.u32 $0x8, v2;
	v1 =	vmul.u32 $0x8, v1;
	s0 =	simm.s32 $0x1;
	[dreg:$0x4] =	wrdreg s25;
	s25 =	simm.s32 $0x9080  }
.LBB2_1:
0x13: {  	s1 =	rddreg [dreg:$0x3]  }
0x14: {  	[tilespmem:s2], [sflag:$0x2] =	stream.linear.gather [hbm4b:s1+s2], $0x40, $0x38;
	[tilespmem:$0xC080] =	vst v63  }
0x15: {  	_ =	swait.ge [sflag:s7], $0x40  }
0x16: {  	[sflag:s7] =	ssyncset.done $0x0  }
0x17: {  	[sflag:s7] =	ssyncadd.s32 $0xFFFFFFC0  }
0x18: {  	v3 =	vld [tilespmem:$0x0];
	_ =	sdelay $0x4  }
0x19: {  	v4 =	vshrl.u32 v3, $0x3  }
0x1a: {  	v4 =	vmul.u32 $0x30, v4  }
0x1b: {  	v3 =	vand.u32 $0x7, v3  }
0x1c: {  	v3 =	vor.u32 v3, v4  }
0x1d: {  	v4 =	vperm.xlane v3, v0;
	_ =	sdelay $0x1  }
0x1e: {  	v4 =	vadd.s32 v1, v4;
	_ =	sdelay $0x3  }
0x1f: {  	v3 =	vperm.xlane v3, v2  }
0x20: {  	[tilespmem:s8], [sflag:$0x1] =	stream.indirect_vreg.gather [hbm4b:s3+s2], $0x80, v4, vm0, $0xb8;
	[tilespmem:$0xC080] =	vst v63  }
0x21: {  	s1 =	rddreg [dreg:$0x5];
	v3 =	vadd.s32 v1, v3  }
0x22: {  	[tilespmem:s1], [sflag:$0x1] =	stream.indirect_vreg.gather [hbm4b:s4+s2], $0x80, v4, vm0, $0xb8;
	[tilespmem:$0xC080] =	vst v63  }
0x23: {  	_ = 	snop  }
0x24: {  	[tilespmem:s9], [sflag:$0x1] =	stream.indirect_vreg.gather [hbm4b:s5+s2], $0x80, v4, vm0, $0xb8;
	[tilespmem:$0xC080] =	vst v63  }
0x25: {  	_ = 	snop  }
0x26: {  	[tilespmem:s10], [sflag:$0x1] =	stream.indirect_vreg.gather [hbm4b:s3+s2], $0x80, v3, vm0, $0xb8;
	[tilespmem:$0xC080] =	vst v63  }
0x27: {  	_ = 	snop  }
0x28: {  	[tilespmem:s11], [sflag:$0x1] =	stream.indirect_vreg.gather [hbm4b:s4+s2], $0x80, v3, vm0, $0xb8;
	[tilespmem:$0xC080] =	vst v63  }
0x29: {  	_ = 	snop  }
0x2a: {  	[tilespmem:s12], [sflag:$0x1] =	stream.indirect_vreg.gather [hbm4b:s5+s2], $0x80, v3, vm0, $0xb8;
	[tilespmem:$0xC080] =	vst v63  }
0x2b: {  	v3 =	vld [tilespmem:$0x10];
	_ =	sdelay $0x4  }
0x2c: {  	v61 =	vshrl.u32 v3, $0x3  }
0x2d: {  	v4 =	vmul.u32 $0x30, v61  }
0x2e: {  	v3 =	vand.u32 $0x7, v3  }
0x2f: {  	v3 =	vor.u32 v3, v4  }
0x30: {  	v4 =	vperm.xlane v3, v0;
	_ =	sdelay $0x1  }
0x31: {  	v4 =	vadd.s32 v1, v4;
	_ =	sdelay $0x3  }
0x32: {  	v3 =	vperm.xlane v3, v2  }
0x33: {  	[tilespmem:s13], [sflag:$0x1] =	stream.indirect_vreg.gather [hbm4b:s3+s2], $0x80, v4, vm0, $0xb8;
	[tilespmem:$0xC080] =	vst v63  }
0x34: {  	v3 =	vadd.s32 v1, v3  }
0x35: {  	[tilespmem:s14], [sflag:$0x1] =	stream.indirect_vreg.gather [hbm4b:s4+s2], $0x80, v4, vm0, $0xb8;
	[tilespmem:$0xC080] =	vst v63  }
0x36: {  	_ = 	snop  }
0x37: {  	[tilespmem:s15], [sflag:$0x1] =	stream.indirect_vreg.gather [hbm4b:s5+s2], $0x80, v4, vm0, $0xb8;
	[tilespmem:$0xC080] =	vst v63  }
0x38: {  	_ = 	snop  }
0x39: {  	[tilespmem:s16], [sflag:$0x1] =	stream.indirect_vreg.gather [hbm4b:s3+s2], $0x80, v3, vm0, $0xb8;
	[tilespmem:$0xC080] =	vst v63  }
0x3a: {  	_ = 	snop  }
0x3b: {  	[tilespmem:s17], [sflag:$0x1] =	stream.indirect_vreg.gather [hbm4b:s4+s2], $0x80, v3, vm0, $0xb8;
	[tilespmem:$0xC080] =	vst v63  }
0x3c: {  	_ = 	snop  }
0x3d: {  	[tilespmem:s18], [sflag:$0x1] =	stream.indirect_vreg.gather [hbm4b:s5+s2], $0x80, v3, vm0, $0xb8;
	[tilespmem:$0xC080] =	vst v63  }
0x3e: {  	v3 =	vld [tilespmem:$0x20];
	_ =	sdelay $0x4  }
0x3f: {  	v62 =	vshrl.u32 v3, $0x3  }
0x40: {  	v4 =	vmul.u32 $0x30, v62  }
0x41: {  	v3 =	vand.u32 $0x7, v3  }
0x42: {  	v3 =	vor.u32 v3, v4  }
0x43: {  	v4 =	vperm.xlane v3, v0;
	_ =	sdelay $0x1  }
0x44: {  	v4 =	vadd.s32 v1, v4;
	_ =	sdelay $0x3  }
0x45: {  	v3 =	vperm.xlane v3, v2  }
0x46: {  	[tilespmem:s19], [sflag:$0x1] =	stream.indirect_vreg.gather [hbm4b:s3+s2], $0x80, v4, vm0, $0xb8;
	[tilespmem:$0xC080] =	vst v63  }
0x47: {  	v3 =	vadd.s32 v1, v3  }
0x48: {  	[tilespmem:s20], [sflag:$0x1] =	stream.indirect_vreg.gather [hbm4b:s4+s2], $0x80, v4, vm0, $0xb8;
	[tilespmem:$0xC080] =	vst v63  }
0x49: {  	_ = 	snop  }
0x4a: {  	[tilespmem:s21], [sflag:$0x1] =	stream.indirect_vreg.gather [hbm4b:s5+s2], $0x80, v4, vm0, $0xb8;
	[tilespmem:$0xC080] =	vst v63  }
0x4b: {  	_ = 	snop  }
0x4c: {  	[tilespmem:s22], [sflag:$0x1] =	stream.indirect_vreg.gather [hbm4b:s3+s2], $0x80, v3, vm0, $0xb8;
	[tilespmem:$0xC080] =	vst v63  }
0x4d: {  	_ = 	snop  }
0x4e: {  	[tilespmem:s23], [sflag:$0x1] =	stream.indirect_vreg.gather [hbm4b:s4+s2], $0x80, v3, vm0, $0xb8;
	[tilespmem:$0xC080] =	vst v63  }
0x4f: {  	_ = 	snop  }
0x50: {  	[tilespmem:s24], [sflag:$0x1] =	stream.indirect_vreg.gather [hbm4b:s5+s2], $0x80, v3, vm0, $0xb8;
	[tilespmem:$0xC080] =	vst v63  }
0x51: {  	v3 =	vld [tilespmem:$0x30];
	_ =	sdelay $0x4  }
0x52: {  	v63 =	vshrl.u32 v3, $0x3  }
0x53: {  	v4 =	vmul.u32 $0x30, v63  }
0x54: {  	v3 =	vand.u32 $0x7, v3  }
0x55: {  	v3 =	vor.u32 v3, v4  }
0x56: {  	v4 =	vperm.xlane v3, v0;
	_ =	sdelay $0x1  }
0x57: {  	v4 =	vadd.s32 v1, v4;
	_ =	sdelay $0x3  }
0x58: {  	v3 =	vperm.xlane v3, v2  }
0x59: {  	[tilespmem:s25], [sflag:$0x1] =	stream.indirect_vreg.gather [hbm4b:s3+s2], $0x80, v4, vm0, $0xb8;
	[tilespmem:$0xC080] =	vst v63  }
0x5a: {  	v3 =	vadd.s32 v1, v3  }
0x5b: {  	[tilespmem:s26], [sflag:$0x1] =	stream.indirect_vreg.gather [hbm4b:s4+s2], $0x80, v4, vm0, $0xb8;
	[tilespmem:$0xC080] =	vst v63  }
0x5c: {  	_ = 	snop  }
0x5d: {  	[tilespmem:s28], [sflag:$0x1] =	stream.indirect_vreg.gather [hbm4b:s5+s2], $0x80, v4, vm0, $0xb8;
	[tilespmem:$0xC080] =	vst v63  }
0x5e: {  	_ = 	snop  }
0x5f: {  	[tilespmem:s29], [sflag:$0x1] =	stream.indirect_vreg.gather [hbm4b:s3+s2], $0x80, v3, vm0, $0xb8;
	[tilespmem:$0xC080] =	vst v63  }
0x60: {  	_ = 	snop  }
0x61: {  	[tilespmem:s30], [sflag:$0x1] =	stream.indirect_vreg.gather [hbm4b:s4+s2], $0x80, v3, vm0, $0xb8;
	[tilespmem:$0xC080] =	vst v63  }
0x62: {  	_ = 	snop  }
0x63: {  	[tilespmem:s31], [sflag:$0x1] =	stream.indirect_vreg.gather [hbm4b:s5+s2], $0x80, v3, vm0, $0xb8;
	[tilespmem:$0xC080] =	vst v63  }
0x64: {  	_ =	swait.ge [sflag:s0], $0xC000  }
0x65: {  	p0 =	sne.s32 s6, $0x1;
	[sflag:s0] =	ssyncset.done $0x0  }
.Ltmp0:
0x66: {  	s1 =	rddreg [dreg:$0x4];
	[sflag:s0] =	ssyncadd.s32 $0xFFFF4000;
	(pc) =	sbr.rel @p0 .LBB2_1-.Ltmp0, $4  }
0x67: {  	[hbm4b:s1+s2] =	stream.linear.scatter [tilespmem:s8], [sflag:$0x2], $0xC000, $0x38;
	[tilespmem:$0xC080] =	vst v63  }
0x68: {  	_ =	swait.ge [sflag:s7], $0xC000  }
0x69: {  	[sflag:s7] =	ssyncset.done $0x0  }
0x6a: {  	s6 =	sadd.s32 $0xFFFFFFFF, s6;
	[sflag:s7] =	ssyncadd.s32 $0xFFFF4000  }
0x6b: {  	_ =	sfence.sel $0x180000  }
0x6c: {  	[bflag:$0x0] =	sbarrier.arrive $0xFFFF  }
0x6d: {  	_ =	strace $0x9000004A  }
0x6e: {  	s0 =	stileid.u32;
	[bflag:$0x2] =	sbarrier.arrive $0xFFFF  }
0x6f: {  	p0 =	sne.s32 s0, $0x0;
	s0 =	rddreg [dreg:$0x2]  }
0x70: {  	s0 =	sadd.s32 @!p0 $0x100000, s0  }
0x71: {  	[sflag:s0] =	ssyncadd.tile.s32 @!p0 $0x1;
	_ =	shalt  }
.Lfunc_end2:
_tile_overlayer_lowered:
.L_overlay_start_2:
0x72: {  	(tag) =	ssettag $0x2  }
0x73: {  	s0 =	rddreg [dreg:$0x0];
	s2 =	stileid.u32  }
0x74: {  	s1 =	rddreg [dreg:$0x1];
	p0 =	sne.s32 s2, $0x0  }
0x75: {  	s3 =	rddreg [dreg:$0x2];
	[bflag:$0x3] =	sbarrier.arrive $0xFFFF;
	s2 =	simm.s32 @!p0 $0x1C02  }
0x76: {  	[timem:s3], [sflag:s2] =	dma.local @!p0 [hbm:s0], s1  }
0x77: {  	s0 =	simm.s32 @!p0 $0x2  }
0x78: {  	_ =	swait.ge @!p0 [sflag:s0], s1  }
0x79: {  	s1 =	ssub.s32 @!p0 $0x0, s1;
	[sflag:s0] =	ssyncset.done @!p0 $0x0  }
0x7a: {  	[sflag:s0] =	ssyncadd.s32 @!p0 s1  }
0x7b: {  	[bflag:$0x3] =	sbarrier.arrive $0xFFFF  }
0x7c: {  	_ =	shalt  }

</sc_bundles>
